<compile_context>
chip_gen: v7x
topology: tpu7x:2x2x1
jax: 0.10.2.dev20260603
libtpu: 0.0.44.dev20260713+nightly
codegen_flags: <defaults>
</compile_context>

<pallas_src>
import functools

import jax
import jax.numpy as jnp
from jax import lax
from jax.experimental import pallas as pl
from jax.experimental.pallas import tpu as pltpu
from jax.experimental.pallas import tpu_sc as plsc

N = 10000
E = 320000
D = 128
NS = 16
NPAD = 10240
NODES_PER_TILE = NPAD // NS
CHUNK = 128
NROWS = E // CHUNK
DRAIN_ROWS = 160
BASE_CHUNKS = NROWS // NS
EXTRA = NROWS - BASE_CHUNKS * NS


def _zero_vmem_2d(ref, rows):
    def zrow(t, carry):
        i = t // (D // 16)
        j = (t % (D // 16)) * 16
        ref[i, pl.ds(j, 16)] = jnp.zeros((16,), jnp.float32)
        return carry
    lax.fori_loop(0, rows * (D // 16), zrow, None)


def _zero_vmem_1d(ref, n):
    def z(t, carry):
        ref[pl.ds(t * 16, 16)] = jnp.zeros((16,), jnp.float32)
        return carry
    lax.fori_loop(0, n // 16, z, None)


def _make_sc_agg(with_deg):
    mesh = plsc.VectorSubcoreMesh(core_axis_name="c", subcore_axis_name="s")
    out_type = [jax.ShapeDtypeStruct((2, NPAD, D), jnp.float32)]
    scratch = [
        pltpu.VMEM((CHUNK,), jnp.int32),
        pltpu.VMEM((CHUNK,), jnp.int32),
        pltpu.VMEM((CHUNK, D), jnp.float32),
        pltpu.VMEM((DRAIN_ROWS, D), jnp.float32),
        pltpu.VMEM_SHARED((NPAD, D), jnp.float32),
        pltpu.SemaphoreType.DMA,
    ]
    if with_deg:
        out_type.append(jax.ShapeDtypeStruct((2, NPAD), jnp.float32))
        scratch += [
            pltpu.VMEM((CHUNK,), jnp.float32),
            pltpu.VMEM((NODES_PER_TILE,), jnp.float32),
            pltpu.VMEM_SHARED((NPAD,), jnp.float32),
        ]

    def body(x_hbm, src_hbm, dst_hbm, *rest):
        if with_deg:
            (sums_hbm, degs_hbm, src_v, dst_v, rows_v, drain_v, acc_sh, sem,
             ones_v, deg_v, deg_sh) = rest
        else:
            sums_hbm, src_v, dst_v, rows_v, drain_v, acc_sh, sem = rest
        c = lax.axis_index("c")
        s = lax.axis_index("s")
        base = s * NODES_PER_TILE

        _zero_vmem_2d(drain_v, DRAIN_ROWS)
        for k in range(NODES_PER_TILE // DRAIN_ROWS):
            pltpu.sync_copy(drain_v,
                            acc_sh.at[pl.ds(base + k * DRAIN_ROWS, DRAIN_ROWS)])
        if with_deg:
            _zero_vmem_1d(deg_v, NODES_PER_TILE)
            pltpu.sync_copy(deg_v, deg_sh.at[pl.ds(base, NODES_PER_TILE)])
            def one(t, carry):
                ones_v[pl.ds(t * 16, 16)] = jnp.ones((16,), jnp.float32)
                return carry
            lax.fori_loop(0, CHUNK // 16, one, None)
        plsc.subcore_barrier()

        start = s * BASE_CHUNKS + jnp.minimum(s, EXTRA)
        nchunks = BASE_CHUNKS + jnp.where(s < EXTRA, 1, 0)

        def chunk_body(k, carry):
            j = start + k
            pltpu.sync_copy(src_hbm.at[c, j], src_v)
            pltpu.sync_copy(dst_hbm.at[c, j], dst_v)
            pltpu.async_copy(x_hbm.at[src_v], rows_v, sem).wait()
            pltpu.sync_copy(rows_v, acc_sh.at[dst_v], add=True)
            if with_deg:
                pltpu.sync_copy(ones_v, deg_sh.at[dst_v], add=True)
            return carry
        lax.fori_loop(0, nchunks, chunk_body, None)

        plsc.subcore_barrier()

        for k in range(NODES_PER_TILE // DRAIN_ROWS):
            r0 = base + k * DRAIN_ROWS
            pltpu.sync_copy(acc_sh.at[pl.ds(r0, DRAIN_ROWS)], drain_v)
            pltpu.sync_copy(drain_v, sums_hbm.at[c, pl.ds(r0, DRAIN_ROWS)])
        if with_deg:
            pltpu.sync_copy(deg_sh.at[pl.ds(base, NODES_PER_TILE)], deg_v)
            pltpu.sync_copy(deg_v, degs_hbm.at[c, pl.ds(base, NODES_PER_TILE)])

    return pl.kernel(body, out_type=tuple(out_type), mesh=mesh,
                     scratch_types=tuple(scratch))


_sc_agg_deg = _make_sc_agg(True)
_sc_agg = _make_sc_agg(False)

_BR = 400


def _dense_layer(x, s0, s1, d0, d1, W_self, b_self, W_neigh, W_mlp, b_mlp,
                 relu):
    dn = (((1,), (1,)), ((), ()))

    def body(x_r, s0_r, s1_r, d0_r, d1_r, Ws_r, bs_r, Wn_r, Wm_r, bm_r, o_r):
        neigh = (s0_r[...] / jnp.maximum(d0_r[...], 1.0)
                 + s1_r[...] / jnp.maximum(d1_r[...], 1.0))
        hs = lax.dot_general(x_r[...], Ws_r[...], dn,
                             preferred_element_type=jnp.float32)
        hn = lax.dot_general(neigh, Wn_r[...], dn,
                             preferred_element_type=jnp.float32)
        rel = 2.0 * hs + 2.0 * bs_r[...] + hn
        out = lax.dot_general(rel, Wm_r[...], dn,
                              preferred_element_type=jnp.float32) + bm_r[...]
        if relu:
            out = jnp.maximum(out, 0.0)
        o_r[...] = out

    row_spec = pl.BlockSpec((_BR, D), lambda i: (i, 0))
    deg_spec = pl.BlockSpec((_BR, 1), lambda i: (i, 0))
    w_spec = pl.BlockSpec((D, D), lambda i: (0, 0))
    b_spec = pl.BlockSpec((1, D), lambda i: (0, 0))
    return pl.pallas_call(
        body,
        grid=(N // _BR,),
        in_specs=[row_spec, row_spec, row_spec, deg_spec, deg_spec,
                  w_spec, b_spec, w_spec, w_spec, b_spec],
        out_specs=row_spec,
        out_shape=jax.ShapeDtypeStruct((N, D), jnp.float32),
    )(x, s0, s1, d0, d1, W_self, b_self.reshape(1, D), W_neigh, W_mlp,
      b_mlp.reshape(1, D))


def kernel(feats, edge_index_r0, edge_index_r1,
           W_self0, b_self0, W_neigh0,
           W_self1, b_self1, W_neigh1,
           W_mlp0, b_mlp0, W_mlp1, b_mlp1):
    src = jnp.stack([edge_index_r0[0], edge_index_r1[0]]
                    ).astype(jnp.int32).reshape(2, NROWS, CHUNK)
    dst = jnp.stack([edge_index_r0[1], edge_index_r1[1]]
                    ).astype(jnp.int32).reshape(2, NROWS, CHUNK)

    sums0, degs = _sc_agg_deg(feats, src, dst)
    d0 = degs[0, :N].reshape(N, 1)
    d1 = degs[1, :N].reshape(N, 1)
    h = _dense_layer(feats, sums0[0, :N], sums0[1, :N], d0, d1,
                     W_self0, b_self0, W_neigh0, W_mlp0, b_mlp0, relu=True)
    sums1, = _sc_agg(h, src, dst)
    out = _dense_layer(h, sums1[0, :N], sums1[1, :N], d0, d1,
                       W_self1, b_self1, W_neigh1, W_mlp1, b_mlp1, relu=False)
    return out

# --- scband reference (transcript-rebuilt; emitter-appended) ---
"""Pipeline reference for scband-graph-sage-dgl-82609400971391 (READ-ONLY COPY).

The authoritative reference and input builder live on the scoring server;
editing this copy changes nothing except your own understanding.
"""

import jax, jax.numpy as jnp
import numpy as np

N_NODES = 10000
N_EDGES = 320000
D = 128


def setup_inputs(seed: int = 0) -> dict:
    key = jax.random.key(seed)
    ks = jax.random.split(key, 16)
    feats = jax.random.normal(ks[0], (N_NODES, D), dtype=jnp.float32)
    edge_index_r0 = jax.random.randint(ks[1], (2, N_EDGES), 0, N_NODES, dtype=jnp.int64 if jax.config.jax_enable_x64 else jnp.int32)
    edge_index_r1 = jax.random.randint(ks[2], (2, N_EDGES), 0, N_NODES, dtype=jnp.int64 if jax.config.jax_enable_x64 else jnp.int32)
    s = 1.0 / np.sqrt(D)
    # SAGEConv layer 0 (shared across relations): fc_self (with bias), fc_neigh (no bias)
    W_self0 = jax.random.uniform(ks[3], (D, D), jnp.float32, -s, s)
    b_self0 = jax.random.uniform(ks[4], (D,), jnp.float32, -s, s)
    W_neigh0 = jax.random.uniform(ks[5], (D, D), jnp.float32, -s, s)
    # SAGEConv layer 1
    W_self1 = jax.random.uniform(ks[6], (D, D), jnp.float32, -s, s)
    b_self1 = jax.random.uniform(ks[7], (D,), jnp.float32, -s, s)
    W_neigh1 = jax.random.uniform(ks[8], (D, D), jnp.float32, -s, s)
    # relation_mlp linears (hid -> hid), with bias
    W_mlp0 = jax.random.uniform(ks[9], (D, D), jnp.float32, -s, s)
    b_mlp0 = jax.random.uniform(ks[10], (D,), jnp.float32, -s, s)
    W_mlp1 = jax.random.uniform(ks[11], (D, D), jnp.float32, -s, s)
    b_mlp1 = jax.random.uniform(ks[12], (D,), jnp.float32, -s, s)
    return {"feats": feats, "edge_index_r0": edge_index_r0, "edge_index_r1": edge_index_r1,
            "W_self0": W_self0, "b_self0": b_self0, "W_neigh0": W_neigh0,
            "W_self1": W_self1, "b_self1": b_self1, "W_neigh1": W_neigh1,
            "W_mlp0": W_mlp0, "b_mlp0": b_mlp0, "W_mlp1": W_mlp1, "b_mlp1": b_mlp1}


def _sage_mean(x, edge_index, W_neigh, W_self, b_self):
    # DGL SAGEConv 'mean' aggregator: in_feats == out_feats so lin_before_mp is False
    src = edge_index[0]
    dst = edge_index[1]
    n = x.shape[0]
    msgs = jnp.take(x, src, axis=0)                         # gather over edges
    summed = jax.ops.segment_sum(msgs, dst, num_segments=n)  # scatter-add by dst
    deg = jax.ops.segment_sum(jnp.ones((src.shape[0],), dtype=x.dtype), dst, num_segments=n)
    neigh = summed / jnp.maximum(deg, 1.0)[:, None]          # fn.mean; 0 for deg-0 nodes
    h_neigh = neigh @ W_neigh.T                              # fc_neigh (no bias)
    h_self = x @ W_self.T + b_self                           # fc_self (bias)
    return h_self + h_neigh


def reference(feats, edge_index_r0, edge_index_r1,
              W_self0, b_self0, W_neigh0,
              W_self1, b_self1, W_neigh1,
              W_mlp0, b_mlp0, W_mlp1, b_mlp1):
    h = feats
    # layer 0: apply SAGEConv to each relation graph, relation_agg='add'
    e0 = _sage_mean(h, edge_index_r0, W_neigh0, W_self0, b_self0)
    e1 = _sage_mean(h, edge_index_r1, W_neigh0, W_self0, b_self0)
    rel = e0 + e1
    h = rel @ W_mlp0.T + b_mlp0
    h = jax.nn.relu(h)
    # layer 1 (last layer: no relu, proj=False, dropout=0)
    e0 = _sage_mean(h, edge_index_r0, W_neigh1, W_self1, b_self1)
    e1 = _sage_mean(h, edge_index_r1, W_neigh1, W_self1, b_self1)
    rel = e0 + e1
    h = rel @ W_mlp1.T + b_mlp1
    return h

if __name__ == "__main__":
    import jax
    _d = setup_inputs()
    print(jax.jit(kernel)(*tuple(_d.values())))

</pallas_src>

<mosaic_0001>
#map = affine_map<(d0, d1) -> (0, 0)>
#map1 = affine_map<(d0, d1) -> (0, 0, 0)>
module attributes {stable_mosaic.version = 14 : i64} {
  func.func @body(%arg0: i32, %arg1: i32, %arg2: memref<10000x128xf32, #tpu.memory_space<hbm>>, %arg3: memref<2x2500x128xi32, #tpu.memory_space<hbm>>, %arg4: memref<2x2500x128xi32, #tpu.memory_space<hbm>>, %arg5: memref<2x10240x128xf32, #tpu.memory_space<hbm>>, %arg6: memref<128xi32, #tpu.memory_space<vmem>>, %arg7: memref<128xi32, #tpu.memory_space<vmem>>, %arg8: memref<128x128xf32, #tpu.memory_space<vmem>>, %arg9: memref<160x128xf32, #tpu.memory_space<vmem>>, %arg10: memref<10240x128xf32, #tpu.memory_space<vmem_shared>>, %arg11: memref<!tpu.dma_semaphore, #tpu.memory_space<semaphore_mem>>) attributes {dimension_semantics = [#tpu.dimension_semantics<core_parallel>, #tpu.dimension_semantics<subcore_parallel>], iteration_bounds = array<i64: 2, 16>, scalar_prefetch = 0 : i64, scratch_operands = 6 : i64, tpu.core_type = #tpu.core_type<sc_vector_subcore>, window_params = [{transform_indices = #map}, {transform_indices = #map1}, {transform_indices = #map1}, {transform_indices = #map1}]} {
    %mul3A = arith.constant 640 : i32
    %mul3A_0 = arith.muli %arg1, %mul3A : i32
    %scan3A = arith.constant 0 : i32
    %scan3A_1 = arith.constant 1280 : i32
    %scan3A_2 = arith.addi %scan3A, %scan3A_1 : i32
    %scan3A_3 = arith.constant 1 : i32
    scf.for %scan3A_37 = %scan3A to %scan3A_2 step %scan3A_3  : i32 {
      %jit3A_38 = arith.constant 8 : i32
      %div3A = arith.divsi %scan3A_37, %jit3A_38 : i32
      %sign3A = arith.constant 0 : i32
      %sign3A_39 = arith.cmpi sgt, %scan3A_37, %sign3A : i32
      %sign3A_40 = arith.extui %sign3A_39 : i1 to i32
      %sign3A_41 = arith.constant 0 : i32
      %sign3A_42 = arith.cmpi slt, %scan3A_37, %sign3A_41 : i32
      %sign3A_43 = arith.extui %sign3A_42 : i1 to i32
      %sign3A_44 = arith.subi %sign3A_40, %sign3A_43 : i32
      %sign3A_45 = arith.constant 0 : i32
      %sign3A_46 = arith.cmpi sgt, %jit3A_38, %sign3A_45 : i32
      %sign3A_47 = arith.extui %sign3A_46 : i1 to i32
      %sign3A_48 = arith.constant 0 : i32
      %sign3A_49 = arith.cmpi slt, %jit3A_38, %sign3A_48 : i32
      %sign3A_50 = arith.extui %sign3A_49 : i1 to i32
      %sign3A_51 = arith.subi %sign3A_47, %sign3A_50 : i32
      %ne3A = arith.cmpi ne, %sign3A_44, %sign3A_51 : i32
      %rem3A = arith.remsi %scan3A_37, %jit3A_38 : i32
      %ne3A_52 = arith.constant 0 : i32
      %ne3A_53 = arith.cmpi ne, %rem3A, %ne3A_52 : i32
      %and3A = arith.andi %ne3A, %ne3A_53 : i1
      %sub3A = arith.constant 1 : i32
      %sub3A_54 = arith.subi %div3A, %sub3A : i32
      %select_n3A_55 = arith.select %and3A, %sub3A_54, %div3A : i32
      %jit3A_56 = arith.constant 8 : i32
      %eq3A = arith.constant 0 : i32
      %eq3A_57 = arith.cmpi eq, %jit3A_56, %eq3A : i32
      %jit3A_58 = arith.constant 1 : i32
      %select_n3A_59 = arith.select %eq3A_57, %jit3A_58, %jit3A_56 : i32
      %rem3A_60 = arith.remsi %scan3A_37, %select_n3A_59 : i32
      %ne3A_61 = arith.constant 0 : i32
      %ne3A_62 = arith.cmpi ne, %rem3A_60, %ne3A_61 : i32
      %lt3A_63 = arith.constant 0 : i32
      %lt3A_64 = arith.cmpi slt, %rem3A_60, %lt3A_63 : i32
      %lt3A_65 = arith.constant 0 : i32
      %lt3A_66 = arith.cmpi slt, %select_n3A_59, %lt3A_65 : i32
      %ne3A_67 = arith.xori %lt3A_64, %lt3A_66 : i1
      %and3A_68 = arith.andi %ne3A_67, %ne3A_62 : i1
      %add3A_69 = arith.addi %rem3A_60, %select_n3A_59 : i32
      %select_n3A_70 = arith.select %and3A_68, %add3A_69, %rem3A_60 : i32
      %mul3A_71 = arith.constant 16 : i32
      %mul3A_72 = arith.muli %select_n3A_70, %mul3A_71 : i32
      %broadcast_in_dim3A = arith.constant 0.000000e+00 : f32
      %broadcast_in_dim3A_73 = vector.broadcast %broadcast_in_dim3A : f32 to vector<16xf32>
      %swap3A = arith.index_cast %select_n3A_55 : i32 to index
      %swap3A_74 = arith.index_cast %mul3A_72 : i32 to index
      %swap3A_75 = tpu.vector_load %arg9[%swap3A, %swap3A_74] {strides = array<i32>} : memref<160x128xf32, #tpu.memory_space<vmem>>, vector<1x16xf32>,
      %swap3A_76 = vector.shape_cast %swap3A_75 : vector<1x16xf32> to vector<16xf32>
      %swap3A_77 = vector.shape_cast %broadcast_in_dim3A_73 : vector<16xf32> to vector<1x16xf32>
      tpu.vector_store %arg9[%swap3A, %swap3A_74], %swap3A_77 {strides = array<i32>} : memref<160x128xf32, #tpu.memory_space<vmem>>, vector<1x16xf32>,
    }
    %scan3A_4 = arith.constant 1280 : i32
    %add3A = arith.constant 0 : i32
    %add3A_5 = arith.addi %mul3A_0, %add3A : i32
    "tpu.region"() ({
      %run_scoped3A = tpu.sem_alloc : memref<!tpu.dma_semaphore, #tpu.memory_space<semaphore_mem>>
      %dma_start3A = arith.constant 0 : i32
      %dma_start3A_37 = tpu.memref_slice %arg10[%add3A_5, %dma_start3A] : memref<10240x128xf32, #tpu.memory_space<vmem_shared>> -> memref<160x128xf32, #tpu.memory_space<vmem_shared>>
      %dma_start3A_38 = arith.constant 0 : i32
      %dma_start3A_39 = tpu.memref_slice %arg10[%add3A_5, %dma_start3A_38] : memref<10240x128xf32, #tpu.memory_space<vmem_shared>> -> memref<160x128xf32, #tpu.memory_space<vmem_shared>>
      tpu.enqueue_dma source(%arg9 : memref<160x128xf32, #tpu.memory_space<vmem>>) target(%dma_start3A_39 : memref<160x128xf32, #tpu.memory_space<vmem_shared>>) target_semaphore(%run_scoped3A : memref<!tpu.dma_semaphore, #tpu.memory_space<semaphore_mem>>)
      %dma_wait3A = arith.constant 0 : i32
      %dma_wait3A_40 = tpu.memref_slice %arg10[%add3A_5, %dma_wait3A] : memref<10240x128xf32, #tpu.memory_space<vmem_shared>> -> memref<160x128xf32, #tpu.memory_space<vmem_shared>>
      %dma_wait3A_41 = arith.constant 0 : i32
      %dma_wait3A_42 = tpu.memref_slice %arg10[%add3A_5, %dma_wait3A_41] : memref<10240x128xf32, #tpu.memory_space<vmem_shared>> -> memref<160x128xf32, #tpu.memory_space<vmem_shared>>
      tpu.wait_dma2 semaphore(%run_scoped3A : memref<!tpu.dma_semaphore, #tpu.memory_space<semaphore_mem>>) src(%arg9 : memref<160x128xf32, #tpu.memory_space<vmem>>) dst(%dma_wait3A_42 : memref<160x128xf32, #tpu.memory_space<vmem_shared>>)
      tpu.yield
    }) : () -> ()
    %add3A_6 = arith.constant 160 : i32
    %add3A_7 = arith.addi %mul3A_0, %add3A_6 : i32
    "tpu.region"() ({
      %run_scoped3A = tpu.sem_alloc : memref<!tpu.dma_semaphore, #tpu.memory_space<semaphore_mem>>
      %dma_start3A = arith.constant 0 : i32
      %dma_start3A_37 = tpu.memref_slice %arg10[%add3A_7, %dma_start3A] : memref<10240x128xf32, #tpu.memory_space<vmem_shared>> -> memref<160x128xf32, #tpu.memory_space<vmem_shared>>
      %dma_start3A_38 = arith.constant 0 : i32
      %dma_start3A_39 = tpu.memref_slice %arg10[%add3A_7, %dma_start3A_38] : memref<10240x128xf32, #tpu.memory_space<vmem_shared>> -> memref<160x128xf32, #tpu.memory_space<vmem_shared>>
      tpu.enqueue_dma source(%arg9 : memref<160x128xf32, #tpu.memory_space<vmem>>) target(%dma_start3A_39 : memref<160x128xf32, #tpu.memory_space<vmem_shared>>) target_semaphore(%run_scoped3A : memref<!tpu.dma_semaphore, #tpu.memory_space<semaphore_mem>>)
      %dma_wait3A = arith.constant 0 : i32
      %dma_wait3A_40 = tpu.memref_slice %arg10[%add3A_7, %dma_wait3A] : memref<10240x128xf32, #tpu.memory_space<vmem_shared>> -> memref<160x128xf32, #tpu.memory_space<vmem_shared>>
      %dma_wait3A_41 = arith.constant 0 : i32
      %dma_wait3A_42 = tpu.memref_slice %arg10[%add3A_7, %dma_wait3A_41] : memref<10240x128xf32, #tpu.memory_space<vmem_shared>> -> memref<160x128xf32, #tpu.memory_space<vmem_shared>>
      tpu.wait_dma2 semaphore(%run_scoped3A : memref<!tpu.dma_semaphore, #tpu.memory_space<semaphore_mem>>) src(%arg9 : memref<160x128xf32, #tpu.memory_space<vmem>>) dst(%dma_wait3A_42 : memref<160x128xf32, #tpu.memory_space<vmem_shared>>)
      tpu.yield
    }) : () -> ()
    %add3A_8 = arith.constant 320 : i32
    %add3A_9 = arith.addi %mul3A_0, %add3A_8 : i32
    "tpu.region"() ({
      %run_scoped3A = tpu.sem_alloc : memref<!tpu.dma_semaphore, #tpu.memory_space<semaphore_mem>>
      %dma_start3A = arith.constant 0 : i32
      %dma_start3A_37 = tpu.memref_slice %arg10[%add3A_9, %dma_start3A] : memref<10240x128xf32, #tpu.memory_space<vmem_shared>> -> memref<160x128xf32, #tpu.memory_space<vmem_shared>>
      %dma_start3A_38 = arith.constant 0 : i32
      %dma_start3A_39 = tpu.memref_slice %arg10[%add3A_9, %dma_start3A_38] : memref<10240x128xf32, #tpu.memory_space<vmem_shared>> -> memref<160x128xf32, #tpu.memory_space<vmem_shared>>
      tpu.enqueue_dma source(%arg9 : memref<160x128xf32, #tpu.memory_space<vmem>>) target(%dma_start3A_39 : memref<160x128xf32, #tpu.memory_space<vmem_shared>>) target_semaphore(%run_scoped3A : memref<!tpu.dma_semaphore, #tpu.memory_space<semaphore_mem>>)
      %dma_wait3A = arith.constant 0 : i32
      %dma_wait3A_40 = tpu.memref_slice %arg10[%add3A_9, %dma_wait3A] : memref<10240x128xf32, #tpu.memory_space<vmem_shared>> -> memref<160x128xf32, #tpu.memory_space<vmem_shared>>
      %dma_wait3A_41 = arith.constant 0 : i32
      %dma_wait3A_42 = tpu.memref_slice %arg10[%add3A_9, %dma_wait3A_41] : memref<10240x128xf32, #tpu.memory_space<vmem_shared>> -> memref<160x128xf32, #tpu.memory_space<vmem_shared>>
      tpu.wait_dma2 semaphore(%run_scoped3A : memref<!tpu.dma_semaphore, #tpu.memory_space<semaphore_mem>>) src(%arg9 : memref<160x128xf32, #tpu.memory_space<vmem>>) dst(%dma_wait3A_42 : memref<160x128xf32, #tpu.memory_space<vmem_shared>>)
      tpu.yield
    }) : () -> ()
    %add3A_10 = arith.constant 480 : i32
    %add3A_11 = arith.addi %mul3A_0, %add3A_10 : i32
    "tpu.region"() ({
      %run_scoped3A = tpu.sem_alloc : memref<!tpu.dma_semaphore, #tpu.memory_space<semaphore_mem>>
      %dma_start3A = arith.constant 0 : i32
      %dma_start3A_37 = tpu.memref_slice %arg10[%add3A_11, %dma_start3A] : memref<10240x128xf32, #tpu.memory_space<vmem_shared>> -> memref<160x128xf32, #tpu.memory_space<vmem_shared>>
      %dma_start3A_38 = arith.constant 0 : i32
      %dma_start3A_39 = tpu.memref_slice %arg10[%add3A_11, %dma_start3A_38] : memref<10240x128xf32, #tpu.memory_space<vmem_shared>> -> memref<160x128xf32, #tpu.memory_space<vmem_shared>>
      tpu.enqueue_dma source(%arg9 : memref<160x128xf32, #tpu.memory_space<vmem>>) target(%dma_start3A_39 : memref<160x128xf32, #tpu.memory_space<vmem_shared>>) target_semaphore(%run_scoped3A : memref<!tpu.dma_semaphore, #tpu.memory_space<semaphore_mem>>)
      %dma_wait3A = arith.constant 0 : i32
      %dma_wait3A_40 = tpu.memref_slice %arg10[%add3A_11, %dma_wait3A] : memref<10240x128xf32, #tpu.memory_space<vmem_shared>> -> memref<160x128xf32, #tpu.memory_space<vmem_shared>>
      %dma_wait3A_41 = arith.constant 0 : i32
      %dma_wait3A_42 = tpu.memref_slice %arg10[%add3A_11, %dma_wait3A_41] : memref<10240x128xf32, #tpu.memory_space<vmem_shared>> -> memref<160x128xf32, #tpu.memory_space<vmem_shared>>
      tpu.wait_dma2 semaphore(%run_scoped3A : memref<!tpu.dma_semaphore, #tpu.memory_space<semaphore_mem>>) src(%arg9 : memref<160x128xf32, #tpu.memory_space<vmem>>) dst(%dma_wait3A_42 : memref<160x128xf32, #tpu.memory_space<vmem_shared>>)
      tpu.yield
    }) : () -> ()
    %barrier3A = arith.constant 0 : index
    tpu.barrier barrier_id(%barrier3A)
    %mul3A_12 = arith.constant 156 : i32
    %mul3A_13 = arith.muli %arg1, %mul3A_12 : i32
    %min3A = arith.constant 4 : i32
    %min3A_14 = arith.minsi %arg1, %min3A : i32
    %add3A_15 = arith.addi %mul3A_13, %min3A_14 : i32
    %lt3A = arith.constant 4 : i32
    %lt3A_16 = arith.cmpi slt, %arg1, %lt3A : i32
    %jit3A = arith.constant 1 : i32
    %jit3A_17 = arith.constant 0 : i32
    %select_n3A = arith.select %lt3A_16, %jit3A, %jit3A_17 : i32
    %add3A_18 = arith.constant 156 : i32
    %add3A_19 = arith.addi %add3A_18, %select_n3A : i32
    %while3A = arith.constant 0 : i32
    %while3A_20 = arith.subi %add3A_19, %while3A : i32
    %while3A_21 = arith.addi %while3A, %while3A_20 : i32
    %while3A_22 = arith.constant 1 : i32
    %while3A_23 = arith.divsi %while3A_20, %while3A_22 : i32
    %while3A_24 = arith.muli %while3A_23, %while3A_22 : i32
    %while3A_25 = arith.addi %while3A, %while3A_24 : i32
    %while3A_26 = arith.constant 1 : i32
    scf.for %while3A_37 = %while3A to %while3A_25 step %while3A_26  : i32 {
      %add3A_38 = arith.addi %add3A_15, %while3A_37 : i32
      "tpu.region"() ({
        %run_scoped3A = tpu.sem_alloc : memref<!tpu.dma_semaphore, #tpu.memory_space<semaphore_mem>>
        %dma_start3A_43 = arith.constant 0 : i32
        %dma_start3A_44 = tpu.memref_slice %arg3[%arg0, %add3A_38, %dma_start3A_43] : memref<2x2500x128xi32, #tpu.memory_space<hbm>> -> memref<1x1x128xi32, #tpu.memory_space<hbm>>
        %dma_start3A_45 = tpu.memref_squeeze %dma_start3A_44 : memref<1x1x128xi32, #tpu.memory_space<hbm>> -> memref<128xi32, #tpu.memory_space<hbm>>
        %dma_start3A_46 = arith.constant 0 : i32
        %dma_start3A_47 = tpu.memref_slice %arg3[%arg0, %add3A_38, %dma_start3A_46] : memref<2x2500x128xi32, #tpu.memory_space<hbm>> -> memref<1x1x128xi32, #tpu.memory_space<hbm>>
        %dma_start3A_48 = tpu.memref_squeeze %dma_start3A_47 : memref<1x1x128xi32, #tpu.memory_space<hbm>> -> memref<128xi32, #tpu.memory_space<hbm>>
        tpu.enqueue_dma source(%dma_start3A_48 : memref<128xi32, #tpu.memory_space<hbm>>) target(%arg6 : memref<128xi32, #tpu.memory_space<vmem>>) target_semaphore(%run_scoped3A : memref<!tpu.dma_semaphore, #tpu.memory_space<semaphore_mem>>)
        %dma_wait3A_49 = arith.constant 0 : i32
        %dma_wait3A_50 = tpu.memref_slice %arg3[%arg0, %add3A_38, %dma_wait3A_49] : memref<2x2500x128xi32, #tpu.memory_space<hbm>> -> memref<1x1x128xi32, #tpu.memory_space<hbm>>
        %dma_wait3A_51 = tpu.memref_squeeze %dma_wait3A_50 : memref<1x1x128xi32, #tpu.memory_space<hbm>> -> memref<128xi32, #tpu.memory_space<hbm>>
        %dma_wait3A_52 = arith.constant 0 : i32
        %dma_wait3A_53 = tpu.memref_slice %arg3[%arg0, %add3A_38, %dma_wait3A_52] : memref<2x2500x128xi32, #tpu.memory_space<hbm>> -> memref<1x1x128xi32, #tpu.memory_space<hbm>>
        %dma_wait3A_54 = tpu.memref_squeeze %dma_wait3A_53 : memref<1x1x128xi32, #tpu.memory_space<hbm>> -> memref<128xi32, #tpu.memory_space<hbm>>
        tpu.wait_dma2 semaphore(%run_scoped3A : memref<!tpu.dma_semaphore, #tpu.memory_space<semaphore_mem>>) src(%dma_wait3A_54 : memref<128xi32, #tpu.memory_space<hbm>>) dst(%arg6 : memref<128xi32, #tpu.memory_space<vmem>>)
        tpu.yield
      }) : () -> ()
      "tpu.region"() ({
        %run_scoped3A = tpu.sem_alloc : memref<!tpu.dma_semaphore, #tpu.memory_space<semaphore_mem>>
        %dma_start3A_43 = arith.constant 0 : i32
        %dma_start3A_44 = tpu.memref_slice %arg4[%arg0, %add3A_38, %dma_start3A_43] : memref<2x2500x128xi32, #tpu.memory_space<hbm>> -> memref<1x1x128xi32, #tpu.memory_space<hbm>>
        %dma_start3A_45 = tpu.memref_squeeze %dma_start3A_44 : memref<1x1x128xi32, #tpu.memory_space<hbm>> -> memref<128xi32, #tpu.memory_space<hbm>>
        %dma_start3A_46 = arith.constant 0 : i32
        %dma_start3A_47 = tpu.memref_slice %arg4[%arg0, %add3A_38, %dma_start3A_46] : memref<2x2500x128xi32, #tpu.memory_space<hbm>> -> memref<1x1x128xi32, #tpu.memory_space<hbm>>
        %dma_start3A_48 = tpu.memref_squeeze %dma_start3A_47 : memref<1x1x128xi32, #tpu.memory_space<hbm>> -> memref<128xi32, #tpu.memory_space<hbm>>
        tpu.enqueue_dma source(%dma_start3A_48 : memref<128xi32, #tpu.memory_space<hbm>>) target(%arg7 : memref<128xi32, #tpu.memory_space<vmem>>) target_semaphore(%run_scoped3A : memref<!tpu.dma_semaphore, #tpu.memory_space<semaphore_mem>>)
        %dma_wait3A_49 = arith.constant 0 : i32
        %dma_wait3A_50 = tpu.memref_slice %arg4[%arg0, %add3A_38, %dma_wait3A_49] : memref<2x2500x128xi32, #tpu.memory_space<hbm>> -> memref<1x1x128xi32, #tpu.memory_space<hbm>>
        %dma_wait3A_51 = tpu.memref_squeeze %dma_wait3A_50 : memref<1x1x128xi32, #tpu.memory_space<hbm>> -> memref<128xi32, #tpu.memory_space<hbm>>
        %dma_wait3A_52 = arith.constant 0 : i32
        %dma_wait3A_53 = tpu.memref_slice %arg4[%arg0, %add3A_38, %dma_wait3A_52] : memref<2x2500x128xi32, #tpu.memory_space<hbm>> -> memref<1x1x128xi32, #tpu.memory_space<hbm>>
        %dma_wait3A_54 = tpu.memref_squeeze %dma_wait3A_53 : memref<1x1x128xi32, #tpu.memory_space<hbm>> -> memref<128xi32, #tpu.memory_space<hbm>>
        tpu.wait_dma2 semaphore(%run_scoped3A : memref<!tpu.dma_semaphore, #tpu.memory_space<semaphore_mem>>) src(%dma_wait3A_54 : memref<128xi32, #tpu.memory_space<hbm>>) dst(%arg7 : memref<128xi32, #tpu.memory_space<vmem>>)
        tpu.yield
      }) : () -> ()
      %dma_start3A = arith.constant 0 : i32
      %dma_start3A_39 = arith.constant 0 : i32
      %dma_start3A_40 = tpu.memref_slice %arg2[%dma_start3A, %dma_start3A_39] : memref<10000x128xf32, #tpu.memory_space<hbm>> -> memref<10000x128xf32, #tpu.memory_space<hbm>>
      tpu.enqueue_indirect_dma source(%dma_start3A_40 : memref<10000x128xf32, #tpu.memory_space<hbm>>) target(%arg8 : memref<128x128xf32, #tpu.memory_space<vmem>>) offsets(%arg6 : memref<128xi32, #tpu.memory_space<vmem>>) semaphore(%arg11 : memref<!tpu.dma_semaphore, #tpu.memory_space<semaphore_mem>>)
      %dma_wait3A = arith.constant 0 : i32
      %dma_wait3A_41 = arith.constant 0 : i32
      %dma_wait3A_42 = tpu.memref_slice %arg2[%dma_wait3A, %dma_wait3A_41] : memref<10000x128xf32, #tpu.memory_space<hbm>> -> memref<10000x128xf32, #tpu.memory_space<hbm>>
      tpu.wait_indirect_dma semaphore(%arg11 : memref<!tpu.dma_semaphore, #tpu.memory_space<semaphore_mem>>) src(%dma_wait3A_42 : memref<10000x128xf32, #tpu.memory_space<hbm>>) dst(%arg8 : memref<128x128xf32, #tpu.memory_space<vmem>>)
      "tpu.region"() ({
        %run_scoped3A = tpu.sem_alloc : memref<!tpu.dma_semaphore, #tpu.memory_space<semaphore_mem>>
        %dma_start3A_43 = arith.constant 0 : i32
        %dma_start3A_44 = arith.constant 0 : i32
        %dma_start3A_45 = tpu.memref_slice %arg10[%dma_start3A_43, %dma_start3A_44] : memref<10240x128xf32, #tpu.memory_space<vmem_shared>> -> memref<10240x128xf32, #tpu.memory_space<vmem_shared>>
        tpu.enqueue_indirect_dma source(%arg8 : memref<128x128xf32, #tpu.memory_space<vmem>>) target(%dma_start3A_45 : memref<10240x128xf32, #tpu.memory_space<vmem_shared>>) offsets(%arg7 : memref<128xi32, #tpu.memory_space<vmem>>) semaphore(%run_scoped3A : memref<!tpu.dma_semaphore, #tpu.memory_space<semaphore_mem>>) {add = true}
        %dma_wait3A_46 = arith.constant 0 : i32
        %dma_wait3A_47 = arith.constant 0 : i32
        %dma_wait3A_48 = tpu.memref_slice %arg10[%dma_wait3A_46, %dma_wait3A_47] : memref<10240x128xf32, #tpu.memory_space<vmem_shared>> -> memref<10240x128xf32, #tpu.memory_space<vmem_shared>>
        tpu.wait_indirect_dma semaphore(%run_scoped3A : memref<!tpu.dma_semaphore, #tpu.memory_space<semaphore_mem>>) src(%arg8 : memref<128x128xf32, #tpu.memory_space<vmem>>) dst(%dma_wait3A_48 : memref<10240x128xf32, #tpu.memory_space<vmem_shared>>)
        tpu.yield
      }) : () -> ()
    }
    %while3A_27 = arith.constant 1 : i32
    scf.for %while3A_37 = %while3A_25 to %while3A_21 step %while3A_27  : i32 {
      %add3A_38 = arith.addi %add3A_15, %while3A_37 : i32
      "tpu.region"() ({
        %run_scoped3A = tpu.sem_alloc : memref<!tpu.dma_semaphore, #tpu.memory_space<semaphore_mem>>
        %dma_start3A_43 = arith.constant 0 : i32
        %dma_start3A_44 = tpu.memref_slice %arg3[%arg0, %add3A_38, %dma_start3A_43] : memref<2x2500x128xi32, #tpu.memory_space<hbm>> -> memref<1x1x128xi32, #tpu.memory_space<hbm>>
        %dma_start3A_45 = tpu.memref_squeeze %dma_start3A_44 : memref<1x1x128xi32, #tpu.memory_space<hbm>> -> memref<128xi32, #tpu.memory_space<hbm>>
        %dma_start3A_46 = arith.constant 0 : i32
        %dma_start3A_47 = tpu.memref_slice %arg3[%arg0, %add3A_38, %dma_start3A_46] : memref<2x2500x128xi32, #tpu.memory_space<hbm>> -> memref<1x1x128xi32, #tpu.memory_space<hbm>>
        %dma_start3A_48 = tpu.memref_squeeze %dma_start3A_47 : memref<1x1x128xi32, #tpu.memory_space<hbm>> -> memref<128xi32, #tpu.memory_space<hbm>>
        tpu.enqueue_dma source(%dma_start3A_48 : memref<128xi32, #tpu.memory_space<hbm>>) target(%arg6 : memref<128xi32, #tpu.memory_space<vmem>>) target_semaphore(%run_scoped3A : memref<!tpu.dma_semaphore, #tpu.memory_space<semaphore_mem>>)
        %dma_wait3A_49 = arith.constant 0 : i32
        %dma_wait3A_50 = tpu.memref_slice %arg3[%arg0, %add3A_38, %dma_wait3A_49] : memref<2x2500x128xi32, #tpu.memory_space<hbm>> -> memref<1x1x128xi32, #tpu.memory_space<hbm>>
        %dma_wait3A_51 = tpu.memref_squeeze %dma_wait3A_50 : memref<1x1x128xi32, #tpu.memory_space<hbm>> -> memref<128xi32, #tpu.memory_space<hbm>>
        %dma_wait3A_52 = arith.constant 0 : i32
        %dma_wait3A_53 = tpu.memref_slice %arg3[%arg0, %add3A_38, %dma_wait3A_52] : memref<2x2500x128xi32, #tpu.memory_space<hbm>> -> memref<1x1x128xi32, #tpu.memory_space<hbm>>
        %dma_wait3A_54 = tpu.memref_squeeze %dma_wait3A_53 : memref<1x1x128xi32, #tpu.memory_space<hbm>> -> memref<128xi32, #tpu.memory_space<hbm>>
        tpu.wait_dma2 semaphore(%run_scoped3A : memref<!tpu.dma_semaphore, #tpu.memory_space<semaphore_mem>>) src(%dma_wait3A_54 : memref<128xi32, #tpu.memory_space<hbm>>) dst(%arg6 : memref<128xi32, #tpu.memory_space<vmem>>)
        tpu.yield
      }) : () -> ()
      "tpu.region"() ({
        %run_scoped3A = tpu.sem_alloc : memref<!tpu.dma_semaphore, #tpu.memory_space<semaphore_mem>>
        %dma_start3A_43 = arith.constant 0 : i32
        %dma_start3A_44 = tpu.memref_slice %arg4[%arg0, %add3A_38, %dma_start3A_43] : memref<2x2500x128xi32, #tpu.memory_space<hbm>> -> memref<1x1x128xi32, #tpu.memory_space<hbm>>
        %dma_start3A_45 = tpu.memref_squeeze %dma_start3A_44 : memref<1x1x128xi32, #tpu.memory_space<hbm>> -> memref<128xi32, #tpu.memory_space<hbm>>
        %dma_start3A_46 = arith.constant 0 : i32
        %dma_start3A_47 = tpu.memref_slice %arg4[%arg0, %add3A_38, %dma_start3A_46] : memref<2x2500x128xi32, #tpu.memory_space<hbm>> -> memref<1x1x128xi32, #tpu.memory_space<hbm>>
        %dma_start3A_48 = tpu.memref_squeeze %dma_start3A_47 : memref<1x1x128xi32, #tpu.memory_space<hbm>> -> memref<128xi32, #tpu.memory_space<hbm>>
        tpu.enqueue_dma source(%dma_start3A_48 : memref<128xi32, #tpu.memory_space<hbm>>) target(%arg7 : memref<128xi32, #tpu.memory_space<vmem>>) target_semaphore(%run_scoped3A : memref<!tpu.dma_semaphore, #tpu.memory_space<semaphore_mem>>)
        %dma_wait3A_49 = arith.constant 0 : i32
        %dma_wait3A_50 = tpu.memref_slice %arg4[%arg0, %add3A_38, %dma_wait3A_49] : memref<2x2500x128xi32, #tpu.memory_space<hbm>> -> memref<1x1x128xi32, #tpu.memory_space<hbm>>
        %dma_wait3A_51 = tpu.memref_squeeze %dma_wait3A_50 : memref<1x1x128xi32, #tpu.memory_space<hbm>> -> memref<128xi32, #tpu.memory_space<hbm>>
        %dma_wait3A_52 = arith.constant 0 : i32
        %dma_wait3A_53 = tpu.memref_slice %arg4[%arg0, %add3A_38, %dma_wait3A_52] : memref<2x2500x128xi32, #tpu.memory_space<hbm>> -> memref<1x1x128xi32, #tpu.memory_space<hbm>>
        %dma_wait3A_54 = tpu.memref_squeeze %dma_wait3A_53 : memref<1x1x128xi32, #tpu.memory_space<hbm>> -> memref<128xi32, #tpu.memory_space<hbm>>
        tpu.wait_dma2 semaphore(%run_scoped3A : memref<!tpu.dma_semaphore, #tpu.memory_space<semaphore_mem>>) src(%dma_wait3A_54 : memref<128xi32, #tpu.memory_space<hbm>>) dst(%arg7 : memref<128xi32, #tpu.memory_space<vmem>>)
        tpu.yield
      }) : () -> ()
      %dma_start3A = arith.constant 0 : i32
      %dma_start3A_39 = arith.constant 0 : i32
      %dma_start3A_40 = tpu.memref_slice %arg2[%dma_start3A, %dma_start3A_39] : memref<10000x128xf32, #tpu.memory_space<hbm>> -> memref<10000x128xf32, #tpu.memory_space<hbm>>
      tpu.enqueue_indirect_dma source(%dma_start3A_40 : memref<10000x128xf32, #tpu.memory_space<hbm>>) target(%arg8 : memref<128x128xf32, #tpu.memory_space<vmem>>) offsets(%arg6 : memref<128xi32, #tpu.memory_space<vmem>>) semaphore(%arg11 : memref<!tpu.dma_semaphore, #tpu.memory_space<semaphore_mem>>)
      %dma_wait3A = arith.constant 0 : i32
      %dma_wait3A_41 = arith.constant 0 : i32
      %dma_wait3A_42 = tpu.memref_slice %arg2[%dma_wait3A, %dma_wait3A_41] : memref<10000x128xf32, #tpu.memory_space<hbm>> -> memref<10000x128xf32, #tpu.memory_space<hbm>>
      tpu.wait_indirect_dma semaphore(%arg11 : memref<!tpu.dma_semaphore, #tpu.memory_space<semaphore_mem>>) src(%dma_wait3A_42 : memref<10000x128xf32, #tpu.memory_space<hbm>>) dst(%arg8 : memref<128x128xf32, #tpu.memory_space<vmem>>)
      "tpu.region"() ({
        %run_scoped3A = tpu.sem_alloc : memref<!tpu.dma_semaphore, #tpu.memory_space<semaphore_mem>>
        %dma_start3A_43 = arith.constant 0 : i32
        %dma_start3A_44 = arith.constant 0 : i32
        %dma_start3A_45 = tpu.memref_slice %arg10[%dma_start3A_43, %dma_start3A_44] : memref<10240x128xf32, #tpu.memory_space<vmem_shared>> -> memref<10240x128xf32, #tpu.memory_space<vmem_shared>>
        tpu.enqueue_indirect_dma source(%arg8 : memref<128x128xf32, #tpu.memory_space<vmem>>) target(%dma_start3A_45 : memref<10240x128xf32, #tpu.memory_space<vmem_shared>>) offsets(%arg7 : memref<128xi32, #tpu.memory_space<vmem>>) semaphore(%run_scoped3A : memref<!tpu.dma_semaphore, #tpu.memory_space<semaphore_mem>>) {add = true}
        %dma_wait3A_46 = arith.constant 0 : i32
        %dma_wait3A_47 = arith.constant 0 : i32
        %dma_wait3A_48 = tpu.memref_slice %arg10[%dma_wait3A_46, %dma_wait3A_47] : memref<10240x128xf32, #tpu.memory_space<vmem_shared>> -> memref<10240x128xf32, #tpu.memory_space<vmem_shared>>
        tpu.wait_indirect_dma semaphore(%run_scoped3A : memref<!tpu.dma_semaphore, #tpu.memory_space<semaphore_mem>>) src(%arg8 : memref<128x128xf32, #tpu.memory_space<vmem>>) dst(%dma_wait3A_48 : memref<10240x128xf32, #tpu.memory_space<vmem_shared>>)
        tpu.yield
      }) : () -> ()
    }
    %barrier3A_28 = arith.constant 0 : index
    tpu.barrier barrier_id(%barrier3A_28)
    %add3A_29 = arith.constant 0 : i32
    %add3A_30 = arith.addi %mul3A_0, %add3A_29 : i32
    "tpu.region"() ({
      %run_scoped3A = tpu.sem_alloc : memref<!tpu.dma_semaphore, #tpu.memory_space<semaphore_mem>>
      %dma_start3A = arith.constant 0 : i32
      %dma_start3A_37 = tpu.memref_slice %arg10[%add3A_30, %dma_start3A] : memref<10240x128xf32, #tpu.memory_space<vmem_shared>> -> memref<160x128xf32, #tpu.memory_space<vmem_shared>>
      %dma_start3A_38 = arith.constant 0 : i32
      %dma_start3A_39 = tpu.memref_slice %arg10[%add3A_30, %dma_start3A_38] : memref<10240x128xf32, #tpu.memory_space<vmem_shared>> -> memref<160x128xf32, #tpu.memory_space<vmem_shared>>
      tpu.enqueue_dma source(%dma_start3A_39 : memref<160x128xf32, #tpu.memory_space<vmem_shared>>) target(%arg9 : memref<160x128xf32, #tpu.memory_space<vmem>>) target_semaphore(%run_scoped3A : memref<!tpu.dma_semaphore, #tpu.memory_space<semaphore_mem>>)
      %dma_wait3A = arith.constant 0 : i32
      %dma_wait3A_40 = tpu.memref_slice %arg10[%add3A_30, %dma_wait3A] : memref<10240x128xf32, #tpu.memory_space<vmem_shared>> -> memref<160x128xf32, #tpu.memory_space<vmem_shared>>
      %dma_wait3A_41 = arith.constant 0 : i32
      %dma_wait3A_42 = tpu.memref_slice %arg10[%add3A_30, %dma_wait3A_41] : memref<10240x128xf32, #tpu.memory_space<vmem_shared>> -> memref<160x128xf32, #tpu.memory_space<vmem_shared>>
      tpu.wait_dma2 semaphore(%run_scoped3A : memref<!tpu.dma_semaphore, #tpu.memory_space<semaphore_mem>>) src(%dma_wait3A_42 : memref<160x128xf32, #tpu.memory_space<vmem_shared>>) dst(%arg9 : memref<160x128xf32, #tpu.memory_space<vmem>>)
      tpu.yield
    }) : () -> ()
    "tpu.region"() ({
      %run_scoped3A = tpu.sem_alloc : memref<!tpu.dma_semaphore, #tpu.memory_space<semaphore_mem>>
      %dma_start3A = arith.constant 0 : i32
      %dma_start3A_37 = tpu.memref_slice %arg5[%arg0, %add3A_30, %dma_start3A] : memref<2x10240x128xf32, #tpu.memory_space<hbm>> -> memref<1x160x128xf32, #tpu.memory_space<hbm>>
      %dma_start3A_38 = tpu.memref_squeeze %dma_start3A_37 : memref<1x160x128xf32, #tpu.memory_space<hbm>> -> memref<160x128xf32, #tpu.memory_space<hbm>>
      %dma_start3A_39 = arith.constant 0 : i32
      %dma_start3A_40 = tpu.memref_slice %arg5[%arg0, %add3A_30, %dma_start3A_39] : memref<2x10240x128xf32, #tpu.memory_space<hbm>> -> memref<1x160x128xf32, #tpu.memory_space<hbm>>
      %dma_start3A_41 = tpu.memref_squeeze %dma_start3A_40 : memref<1x160x128xf32, #tpu.memory_space<hbm>> -> memref<160x128xf32, #tpu.memory_space<hbm>>
      tpu.enqueue_dma source(%arg9 : memref<160x128xf32, #tpu.memory_space<vmem>>) target(%dma_start3A_41 : memref<160x128xf32, #tpu.memory_space<hbm>>) target_semaphore(%run_scoped3A : memref<!tpu.dma_semaphore, #tpu.memory_space<semaphore_mem>>)
      %dma_wait3A = arith.constant 0 : i32
      %dma_wait3A_42 = tpu.memref_slice %arg5[%arg0, %add3A_30, %dma_wait3A] : memref<2x10240x128xf32, #tpu.memory_space<hbm>> -> memref<1x160x128xf32, #tpu.memory_space<hbm>>
      %dma_wait3A_43 = tpu.memref_squeeze %dma_wait3A_42 : memref<1x160x128xf32, #tpu.memory_space<hbm>> -> memref<160x128xf32, #tpu.memory_space<hbm>>
      %dma_wait3A_44 = arith.constant 0 : i32
      %dma_wait3A_45 = tpu.memref_slice %arg5[%arg0, %add3A_30, %dma_wait3A_44] : memref<2x10240x128xf32, #tpu.memory_space<hbm>> -> memref<1x160x128xf32, #tpu.memory_space<hbm>>
      %dma_wait3A_46 = tpu.memref_squeeze %dma_wait3A_45 : memref<1x160x128xf32, #tpu.memory_space<hbm>> -> memref<160x128xf32, #tpu.memory_space<hbm>>
      tpu.wait_dma2 semaphore(%run_scoped3A : memref<!tpu.dma_semaphore, #tpu.memory_space<semaphore_mem>>) src(%arg9 : memref<160x128xf32, #tpu.memory_space<vmem>>) dst(%dma_wait3A_46 : memref<160x128xf32, #tpu.memory_space<hbm>>)
      tpu.yield
    }) : () -> ()
    %add3A_31 = arith.constant 160 : i32
    %add3A_32 = arith.addi %mul3A_0, %add3A_31 : i32
    "tpu.region"() ({
      %run_scoped3A = tpu.sem_alloc : memref<!tpu.dma_semaphore, #tpu.memory_space<semaphore_mem>>
      %dma_start3A = arith.constant 0 : i32
      %dma_start3A_37 = tpu.memref_slice %arg10[%add3A_32, %dma_start3A] : memref<10240x128xf32, #tpu.memory_space<vmem_shared>> -> memref<160x128xf32, #tpu.memory_space<vmem_shared>>
      %dma_start3A_38 = arith.constant 0 : i32
      %dma_start3A_39 = tpu.memref_slice %arg10[%add3A_32, %dma_start3A_38] : memref<10240x128xf32, #tpu.memory_space<vmem_shared>> -> memref<160x128xf32, #tpu.memory_space<vmem_shared>>
      tpu.enqueue_dma source(%dma_start3A_39 : memref<160x128xf32, #tpu.memory_space<vmem_shared>>) target(%arg9 : memref<160x128xf32, #tpu.memory_space<vmem>>) target_semaphore(%run_scoped3A : memref<!tpu.dma_semaphore, #tpu.memory_space<semaphore_mem>>)
      %dma_wait3A = arith.constant 0 : i32
      %dma_wait3A_40 = tpu.memref_slice %arg10[%add3A_32, %dma_wait3A] : memref<10240x128xf32, #tpu.memory_space<vmem_shared>> -> memref<160x128xf32, #tpu.memory_space<vmem_shared>>
      %dma_wait3A_41 = arith.constant 0 : i32
      %dma_wait3A_42 = tpu.memref_slice %arg10[%add3A_32, %dma_wait3A_41] : memref<10240x128xf32, #tpu.memory_space<vmem_shared>> -> memref<160x128xf32, #tpu.memory_space<vmem_shared>>
      tpu.wait_dma2 semaphore(%run_scoped3A : memref<!tpu.dma_semaphore, #tpu.memory_space<semaphore_mem>>) src(%dma_wait3A_42 : memref<160x128xf32, #tpu.memory_space<vmem_shared>>) dst(%arg9 : memref<160x128xf32, #tpu.memory_space<vmem>>)
      tpu.yield
    }) : () -> ()
    "tpu.region"() ({
      %run_scoped3A = tpu.sem_alloc : memref<!tpu.dma_semaphore, #tpu.memory_space<semaphore_mem>>
      %dma_start3A = arith.constant 0 : i32
      %dma_start3A_37 = tpu.memref_slice %arg5[%arg0, %add3A_32, %dma_start3A] : memref<2x10240x128xf32, #tpu.memory_space<hbm>> -> memref<1x160x128xf32, #tpu.memory_space<hbm>>
      %dma_start3A_38 = tpu.memref_squeeze %dma_start3A_37 : memref<1x160x128xf32, #tpu.memory_space<hbm>> -> memref<160x128xf32, #tpu.memory_space<hbm>>
      %dma_start3A_39 = arith.constant 0 : i32
      %dma_start3A_40 = tpu.memref_slice %arg5[%arg0, %add3A_32, %dma_start3A_39] : memref<2x10240x128xf32, #tpu.memory_space<hbm>> -> memref<1x160x128xf32, #tpu.memory_space<hbm>>
      %dma_start3A_41 = tpu.memref_squeeze %dma_start3A_40 : memref<1x160x128xf32, #tpu.memory_space<hbm>> -> memref<160x128xf32, #tpu.memory_space<hbm>>
      tpu.enqueue_dma source(%arg9 : memref<160x128xf32, #tpu.memory_space<vmem>>) target(%dma_start3A_41 : memref<160x128xf32, #tpu.memory_space<hbm>>) target_semaphore(%run_scoped3A : memref<!tpu.dma_semaphore, #tpu.memory_space<semaphore_mem>>)
      %dma_wait3A = arith.constant 0 : i32
      %dma_wait3A_42 = tpu.memref_slice %arg5[%arg0, %add3A_32, %dma_wait3A] : memref<2x10240x128xf32, #tpu.memory_space<hbm>> -> memref<1x160x128xf32, #tpu.memory_space<hbm>>
      %dma_wait3A_43 = tpu.memref_squeeze %dma_wait3A_42 : memref<1x160x128xf32, #tpu.memory_space<hbm>> -> memref<160x128xf32, #tpu.memory_space<hbm>>
      %dma_wait3A_44 = arith.constant 0 : i32
      %dma_wait3A_45 = tpu.memref_slice %arg5[%arg0, %add3A_32, %dma_wait3A_44] : memref<2x10240x128xf32, #tpu.memory_space<hbm>> -> memref<1x160x128xf32, #tpu.memory_space<hbm>>
      %dma_wait3A_46 = tpu.memref_squeeze %dma_wait3A_45 : memref<1x160x128xf32, #tpu.memory_space<hbm>> -> memref<160x128xf32, #tpu.memory_space<hbm>>
      tpu.wait_dma2 semaphore(%run_scoped3A : memref<!tpu.dma_semaphore, #tpu.memory_space<semaphore_mem>>) src(%arg9 : memref<160x128xf32, #tpu.memory_space<vmem>>) dst(%dma_wait3A_46 : memref<160x128xf32, #tpu.memory_space<hbm>>)
      tpu.yield
    }) : () -> ()
    %add3A_33 = arith.constant 320 : i32
    %add3A_34 = arith.addi %mul3A_0, %add3A_33 : i32
    "tpu.region"() ({
      %run_scoped3A = tpu.sem_alloc : memref<!tpu.dma_semaphore, #tpu.memory_space<semaphore_mem>>
      %dma_start3A = arith.constant 0 : i32
      %dma_start3A_37 = tpu.memref_slice %arg10[%add3A_34, %dma_start3A] : memref<10240x128xf32, #tpu.memory_space<vmem_shared>> -> memref<160x128xf32, #tpu.memory_space<vmem_shared>>
      %dma_start3A_38 = arith.constant 0 : i32
      %dma_start3A_39 = tpu.memref_slice %arg10[%add3A_34, %dma_start3A_38] : memref<10240x128xf32, #tpu.memory_space<vmem_shared>> -> memref<160x128xf32, #tpu.memory_space<vmem_shared>>
      tpu.enqueue_dma source(%dma_start3A_39 : memref<160x128xf32, #tpu.memory_space<vmem_shared>>) target(%arg9 : memref<160x128xf32, #tpu.memory_space<vmem>>) target_semaphore(%run_scoped3A : memref<!tpu.dma_semaphore, #tpu.memory_space<semaphore_mem>>)
      %dma_wait3A = arith.constant 0 : i32
      %dma_wait3A_40 = tpu.memref_slice %arg10[%add3A_34, %dma_wait3A] : memref<10240x128xf32, #tpu.memory_space<vmem_shared>> -> memref<160x128xf32, #tpu.memory_space<vmem_shared>>
      %dma_wait3A_41 = arith.constant 0 : i32
      %dma_wait3A_42 = tpu.memref_slice %arg10[%add3A_34, %dma_wait3A_41] : memref<10240x128xf32, #tpu.memory_space<vmem_shared>> -> memref<160x128xf32, #tpu.memory_space<vmem_shared>>
      tpu.wait_dma2 semaphore(%run_scoped3A : memref<!tpu.dma_semaphore, #tpu.memory_space<semaphore_mem>>) src(%dma_wait3A_42 : memref<160x128xf32, #tpu.memory_space<vmem_shared>>) dst(%arg9 : memref<160x128xf32, #tpu.memory_space<vmem>>)
      tpu.yield
    }) : () -> ()
    "tpu.region"() ({
      %run_scoped3A = tpu.sem_alloc : memref<!tpu.dma_semaphore, #tpu.memory_space<semaphore_mem>>
      %dma_start3A = arith.constant 0 : i32
      %dma_start3A_37 = tpu.memref_slice %arg5[%arg0, %add3A_34, %dma_start3A] : memref<2x10240x128xf32, #tpu.memory_space<hbm>> -> memref<1x160x128xf32, #tpu.memory_space<hbm>>
      %dma_start3A_38 = tpu.memref_squeeze %dma_start3A_37 : memref<1x160x128xf32, #tpu.memory_space<hbm>> -> memref<160x128xf32, #tpu.memory_space<hbm>>
      %dma_start3A_39 = arith.constant 0 : i32
      %dma_start3A_40 = tpu.memref_slice %arg5[%arg0, %add3A_34, %dma_start3A_39] : memref<2x10240x128xf32, #tpu.memory_space<hbm>> -> memref<1x160x128xf32, #tpu.memory_space<hbm>>
      %dma_start3A_41 = tpu.memref_squeeze %dma_start3A_40 : memref<1x160x128xf32, #tpu.memory_space<hbm>> -> memref<160x128xf32, #tpu.memory_space<hbm>>
      tpu.enqueue_dma source(%arg9 : memref<160x128xf32, #tpu.memory_space<vmem>>) target(%dma_start3A_41 : memref<160x128xf32, #tpu.memory_space<hbm>>) target_semaphore(%run_scoped3A : memref<!tpu.dma_semaphore, #tpu.memory_space<semaphore_mem>>)
      %dma_wait3A = arith.constant 0 : i32
      %dma_wait3A_42 = tpu.memref_slice %arg5[%arg0, %add3A_34, %dma_wait3A] : memref<2x10240x128xf32, #tpu.memory_space<hbm>> -> memref<1x160x128xf32, #tpu.memory_space<hbm>>
      %dma_wait3A_43 = tpu.memref_squeeze %dma_wait3A_42 : memref<1x160x128xf32, #tpu.memory_space<hbm>> -> memref<160x128xf32, #tpu.memory_space<hbm>>
      %dma_wait3A_44 = arith.constant 0 : i32
      %dma_wait3A_45 = tpu.memref_slice %arg5[%arg0, %add3A_34, %dma_wait3A_44] : memref<2x10240x128xf32, #tpu.memory_space<hbm>> -> memref<1x160x128xf32, #tpu.memory_space<hbm>>
      %dma_wait3A_46 = tpu.memref_squeeze %dma_wait3A_45 : memref<1x160x128xf32, #tpu.memory_space<hbm>> -> memref<160x128xf32, #tpu.memory_space<hbm>>
      tpu.wait_dma2 semaphore(%run_scoped3A : memref<!tpu.dma_semaphore, #tpu.memory_space<semaphore_mem>>) src(%arg9 : memref<160x128xf32, #tpu.memory_space<vmem>>) dst(%dma_wait3A_46 : memref<160x128xf32, #tpu.memory_space<hbm>>)
      tpu.yield
    }) : () -> ()
    %add3A_35 = arith.constant 480 : i32
    %add3A_36 = arith.addi %mul3A_0, %add3A_35 : i32
    "tpu.region"() ({
      %run_scoped3A = tpu.sem_alloc : memref<!tpu.dma_semaphore, #tpu.memory_space<semaphore_mem>>
      %dma_start3A = arith.constant 0 : i32
      %dma_start3A_37 = tpu.memref_slice %arg10[%add3A_36, %dma_start3A] : memref<10240x128xf32, #tpu.memory_space<vmem_shared>> -> memref<160x128xf32, #tpu.memory_space<vmem_shared>>
      %dma_start3A_38 = arith.constant 0 : i32
      %dma_start3A_39 = tpu.memref_slice %arg10[%add3A_36, %dma_start3A_38] : memref<10240x128xf32, #tpu.memory_space<vmem_shared>> -> memref<160x128xf32, #tpu.memory_space<vmem_shared>>
      tpu.enqueue_dma source(%dma_start3A_39 : memref<160x128xf32, #tpu.memory_space<vmem_shared>>) target(%arg9 : memref<160x128xf32, #tpu.memory_space<vmem>>) target_semaphore(%run_scoped3A : memref<!tpu.dma_semaphore, #tpu.memory_space<semaphore_mem>>)
      %dma_wait3A = arith.constant 0 : i32
      %dma_wait3A_40 = tpu.memref_slice %arg10[%add3A_36, %dma_wait3A] : memref<10240x128xf32, #tpu.memory_space<vmem_shared>> -> memref<160x128xf32, #tpu.memory_space<vmem_shared>>
      %dma_wait3A_41 = arith.constant 0 : i32
      %dma_wait3A_42 = tpu.memref_slice %arg10[%add3A_36, %dma_wait3A_41] : memref<10240x128xf32, #tpu.memory_space<vmem_shared>> -> memref<160x128xf32, #tpu.memory_space<vmem_shared>>
      tpu.wait_dma2 semaphore(%run_scoped3A : memref<!tpu.dma_semaphore, #tpu.memory_space<semaphore_mem>>) src(%dma_wait3A_42 : memref<160x128xf32, #tpu.memory_space<vmem_shared>>) dst(%arg9 : memref<160x128xf32, #tpu.memory_space<vmem>>)
      tpu.yield
    }) : () -> ()
    "tpu.region"() ({
      %run_scoped3A = tpu.sem_alloc : memref<!tpu.dma_semaphore, #tpu.memory_space<semaphore_mem>>
      %dma_start3A = arith.constant 0 : i32
      %dma_start3A_37 = tpu.memref_slice %arg5[%arg0, %add3A_36, %dma_start3A] : memref<2x10240x128xf32, #tpu.memory_space<hbm>> -> memref<1x160x128xf32, #tpu.memory_space<hbm>>
      %dma_start3A_38 = tpu.memref_squeeze %dma_start3A_37 : memref<1x160x128xf32, #tpu.memory_space<hbm>> -> memref<160x128xf32, #tpu.memory_space<hbm>>
      %dma_start3A_39 = arith.constant 0 : i32
      %dma_start3A_40 = tpu.memref_slice %arg5[%arg0, %add3A_36, %dma_start3A_39] : memref<2x10240x128xf32, #tpu.memory_space<hbm>> -> memref<1x160x128xf32, #tpu.memory_space<hbm>>
      %dma_start3A_41 = tpu.memref_squeeze %dma_start3A_40 : memref<1x160x128xf32, #tpu.memory_space<hbm>> -> memref<160x128xf32, #tpu.memory_space<hbm>>
      tpu.enqueue_dma source(%arg9 : memref<160x128xf32, #tpu.memory_space<vmem>>) target(%dma_start3A_41 : memref<160x128xf32, #tpu.memory_space<hbm>>) target_semaphore(%run_scoped3A : memref<!tpu.dma_semaphore, #tpu.memory_space<semaphore_mem>>)
      %dma_wait3A = arith.constant 0 : i32
      %dma_wait3A_42 = tpu.memref_slice %arg5[%arg0, %add3A_36, %dma_wait3A] : memref<2x10240x128xf32, #tpu.memory_space<hbm>> -> memref<1x160x128xf32, #tpu.memory_space<hbm>>
      %dma_wait3A_43 = tpu.memref_squeeze %dma_wait3A_42 : memref<1x160x128xf32, #tpu.memory_space<hbm>> -> memref<160x128xf32, #tpu.memory_space<hbm>>
      %dma_wait3A_44 = arith.constant 0 : i32
      %dma_wait3A_45 = tpu.memref_slice %arg5[%arg0, %add3A_36, %dma_wait3A_44] : memref<2x10240x128xf32, #tpu.memory_space<hbm>> -> memref<1x160x128xf32, #tpu.memory_space<hbm>>
      %dma_wait3A_46 = tpu.memref_squeeze %dma_wait3A_45 : memref<1x160x128xf32, #tpu.memory_space<hbm>> -> memref<160x128xf32, #tpu.memory_space<hbm>>
      tpu.wait_dma2 semaphore(%run_scoped3A : memref<!tpu.dma_semaphore, #tpu.memory_space<semaphore_mem>>) src(%arg9 : memref<160x128xf32, #tpu.memory_space<vmem>>) dst(%dma_wait3A_46 : memref<160x128xf32, #tpu.memory_space<hbm>>)
      tpu.yield
    }) : () -> ()
    return
  }
}

#map = affine_map<(d0, d1) -> (0, 0)>
#map1 = affine_map<(d0, d1) -> (0, 0, 0)>
module attributes {stable_mosaic.version = 14 : i64} {
  func.func @body(%arg0: i32, %arg1: i32, %arg2: memref<10000x128xf32, #tpu.memory_space<hbm>>, %arg3: memref<2x2500x128xi32, #tpu.memory_space<hbm>>, %arg4: memref<2x2500x128xi32, #tpu.memory_space<hbm>>, %arg5: memref<2x10240x128xf32, #tpu.memory_space<hbm>>, %arg6: memref<2x10240xf32, #tpu.memory_space<hbm>>, %arg7: memref<128xi32, #tpu.memory_space<vmem>>, %arg8: memref<128xi32, #tpu.memory_space<vmem>>, %arg9: memref<128x128xf32, #tpu.memory_space<vmem>>, %arg10: memref<160x128xf32, #tpu.memory_space<vmem>>, %arg11: memref<10240x128xf32, #tpu.memory_space<vmem_shared>>, %arg12: memref<!tpu.dma_semaphore, #tpu.memory_space<semaphore_mem>>, %arg13: memref<128xf32, #tpu.memory_space<vmem>>, %arg14: memref<640xf32, #tpu.memory_space<vmem>>, %arg15: memref<10240xf32, #tpu.memory_space<vmem_shared>>) attributes {dimension_semantics = [#tpu.dimension_semantics<core_parallel>, #tpu.dimension_semantics<subcore_parallel>], iteration_bounds = array<i64: 2, 16>, scalar_prefetch = 0 : i64, scratch_operands = 9 : i64, tpu.core_type = #tpu.core_type<sc_vector_subcore>, window_params = [{transform_indices = #map}, {transform_indices = #map1}, {transform_indices = #map1}, {transform_indices = #map1}, {transform_indices = #map}]} {
    %mul3A = arith.constant 640 : i32
    %mul3A_0 = arith.muli %arg1, %mul3A : i32
    %scan3A = arith.constant 0 : i32
    %scan3A_1 = arith.constant 1280 : i32
    %scan3A_2 = arith.addi %scan3A, %scan3A_1 : i32
    %scan3A_3 = arith.constant 1 : i32
    scf.for %scan3A_47 = %scan3A to %scan3A_2 step %scan3A_3  : i32 {
      %jit3A_48 = arith.constant 8 : i32
      %div3A = arith.divsi %scan3A_47, %jit3A_48 : i32
      %sign3A = arith.constant 0 : i32
      %sign3A_49 = arith.cmpi sgt, %scan3A_47, %sign3A : i32
      %sign3A_50 = arith.extui %sign3A_49 : i1 to i32
      %sign3A_51 = arith.constant 0 : i32
      %sign3A_52 = arith.cmpi slt, %scan3A_47, %sign3A_51 : i32
      %sign3A_53 = arith.extui %sign3A_52 : i1 to i32
      %sign3A_54 = arith.subi %sign3A_50, %sign3A_53 : i32
      %sign3A_55 = arith.constant 0 : i32
      %sign3A_56 = arith.cmpi sgt, %jit3A_48, %sign3A_55 : i32
      %sign3A_57 = arith.extui %sign3A_56 : i1 to i32
      %sign3A_58 = arith.constant 0 : i32
      %sign3A_59 = arith.cmpi slt, %jit3A_48, %sign3A_58 : i32
      %sign3A_60 = arith.extui %sign3A_59 : i1 to i32
      %sign3A_61 = arith.subi %sign3A_57, %sign3A_60 : i32
      %ne3A = arith.cmpi ne, %sign3A_54, %sign3A_61 : i32
      %rem3A = arith.remsi %scan3A_47, %jit3A_48 : i32
      %ne3A_62 = arith.constant 0 : i32
      %ne3A_63 = arith.cmpi ne, %rem3A, %ne3A_62 : i32
      %and3A = arith.andi %ne3A, %ne3A_63 : i1
      %sub3A = arith.constant 1 : i32
      %sub3A_64 = arith.subi %div3A, %sub3A : i32
      %select_n3A_65 = arith.select %and3A, %sub3A_64, %div3A : i32
      %jit3A_66 = arith.constant 8 : i32
      %eq3A = arith.constant 0 : i32
      %eq3A_67 = arith.cmpi eq, %jit3A_66, %eq3A : i32
      %jit3A_68 = arith.constant 1 : i32
      %select_n3A_69 = arith.select %eq3A_67, %jit3A_68, %jit3A_66 : i32
      %rem3A_70 = arith.remsi %scan3A_47, %select_n3A_69 : i32
      %ne3A_71 = arith.constant 0 : i32
      %ne3A_72 = arith.cmpi ne, %rem3A_70, %ne3A_71 : i32
      %lt3A_73 = arith.constant 0 : i32
      %lt3A_74 = arith.cmpi slt, %rem3A_70, %lt3A_73 : i32
      %lt3A_75 = arith.constant 0 : i32
      %lt3A_76 = arith.cmpi slt, %select_n3A_69, %lt3A_75 : i32
      %ne3A_77 = arith.xori %lt3A_74, %lt3A_76 : i1
      %and3A_78 = arith.andi %ne3A_77, %ne3A_72 : i1
      %add3A_79 = arith.addi %rem3A_70, %select_n3A_69 : i32
      %select_n3A_80 = arith.select %and3A_78, %add3A_79, %rem3A_70 : i32
      %mul3A_81 = arith.constant 16 : i32
      %mul3A_82 = arith.muli %select_n3A_80, %mul3A_81 : i32
      %broadcast_in_dim3A = arith.constant 0.000000e+00 : f32
      %broadcast_in_dim3A_83 = vector.broadcast %broadcast_in_dim3A : f32 to vector<16xf32>
      %swap3A = arith.index_cast %select_n3A_65 : i32 to index
      %swap3A_84 = arith.index_cast %mul3A_82 : i32 to index
      %swap3A_85 = tpu.vector_load %arg10[%swap3A, %swap3A_84] {strides = array<i32>} : memref<160x128xf32, #tpu.memory_space<vmem>>, vector<1x16xf32>,
      %swap3A_86 = vector.shape_cast %swap3A_85 : vector<1x16xf32> to vector<16xf32>
      %swap3A_87 = vector.shape_cast %broadcast_in_dim3A_83 : vector<16xf32> to vector<1x16xf32>
      tpu.vector_store %arg10[%swap3A, %swap3A_84], %swap3A_87 {strides = array<i32>} : memref<160x128xf32, #tpu.memory_space<vmem>>, vector<1x16xf32>,
    }
    %scan3A_4 = arith.constant 1280 : i32
    %add3A = arith.constant 0 : i32
    %add3A_5 = arith.addi %mul3A_0, %add3A : i32
    "tpu.region"() ({
      %run_scoped3A = tpu.sem_alloc : memref<!tpu.dma_semaphore, #tpu.memory_space<semaphore_mem>>
      %dma_start3A = arith.constant 0 : i32
      %dma_start3A_47 = tpu.memref_slice %arg11[%add3A_5, %dma_start3A] : memref<10240x128xf32, #tpu.memory_space<vmem_shared>> -> memref<160x128xf32, #tpu.memory_space<vmem_shared>>
      %dma_start3A_48 = arith.constant 0 : i32
      %dma_start3A_49 = tpu.memref_slice %arg11[%add3A_5, %dma_start3A_48] : memref<10240x128xf32, #tpu.memory_space<vmem_shared>> -> memref<160x128xf32, #tpu.memory_space<vmem_shared>>
      tpu.enqueue_dma source(%arg10 : memref<160x128xf32, #tpu.memory_space<vmem>>) target(%dma_start3A_49 : memref<160x128xf32, #tpu.memory_space<vmem_shared>>) target_semaphore(%run_scoped3A : memref<!tpu.dma_semaphore, #tpu.memory_space<semaphore_mem>>)
      %dma_wait3A = arith.constant 0 : i32
      %dma_wait3A_50 = tpu.memref_slice %arg11[%add3A_5, %dma_wait3A] : memref<10240x128xf32, #tpu.memory_space<vmem_shared>> -> memref<160x128xf32, #tpu.memory_space<vmem_shared>>
      %dma_wait3A_51 = arith.constant 0 : i32
      %dma_wait3A_52 = tpu.memref_slice %arg11[%add3A_5, %dma_wait3A_51] : memref<10240x128xf32, #tpu.memory_space<vmem_shared>> -> memref<160x128xf32, #tpu.memory_space<vmem_shared>>
      tpu.wait_dma2 semaphore(%run_scoped3A : memref<!tpu.dma_semaphore, #tpu.memory_space<semaphore_mem>>) src(%arg10 : memref<160x128xf32, #tpu.memory_space<vmem>>) dst(%dma_wait3A_52 : memref<160x128xf32, #tpu.memory_space<vmem_shared>>)
      tpu.yield
    }) : () -> ()
    %add3A_6 = arith.constant 160 : i32
    %add3A_7 = arith.addi %mul3A_0, %add3A_6 : i32
    "tpu.region"() ({
      %run_scoped3A = tpu.sem_alloc : memref<!tpu.dma_semaphore, #tpu.memory_space<semaphore_mem>>
      %dma_start3A = arith.constant 0 : i32
      %dma_start3A_47 = tpu.memref_slice %arg11[%add3A_7, %dma_start3A] : memref<10240x128xf32, #tpu.memory_space<vmem_shared>> -> memref<160x128xf32, #tpu.memory_space<vmem_shared>>
      %dma_start3A_48 = arith.constant 0 : i32
      %dma_start3A_49 = tpu.memref_slice %arg11[%add3A_7, %dma_start3A_48] : memref<10240x128xf32, #tpu.memory_space<vmem_shared>> -> memref<160x128xf32, #tpu.memory_space<vmem_shared>>
      tpu.enqueue_dma source(%arg10 : memref<160x128xf32, #tpu.memory_space<vmem>>) target(%dma_start3A_49 : memref<160x128xf32, #tpu.memory_space<vmem_shared>>) target_semaphore(%run_scoped3A : memref<!tpu.dma_semaphore, #tpu.memory_space<semaphore_mem>>)
      %dma_wait3A = arith.constant 0 : i32
      %dma_wait3A_50 = tpu.memref_slice %arg11[%add3A_7, %dma_wait3A] : memref<10240x128xf32, #tpu.memory_space<vmem_shared>> -> memref<160x128xf32, #tpu.memory_space<vmem_shared>>
      %dma_wait3A_51 = arith.constant 0 : i32
      %dma_wait3A_52 = tpu.memref_slice %arg11[%add3A_7, %dma_wait3A_51] : memref<10240x128xf32, #tpu.memory_space<vmem_shared>> -> memref<160x128xf32, #tpu.memory_space<vmem_shared>>
      tpu.wait_dma2 semaphore(%run_scoped3A : memref<!tpu.dma_semaphore, #tpu.memory_space<semaphore_mem>>) src(%arg10 : memref<160x128xf32, #tpu.memory_space<vmem>>) dst(%dma_wait3A_52 : memref<160x128xf32, #tpu.memory_space<vmem_shared>>)
      tpu.yield
    }) : () -> ()
    %add3A_8 = arith.constant 320 : i32
    %add3A_9 = arith.addi %mul3A_0, %add3A_8 : i32
    "tpu.region"() ({
      %run_scoped3A = tpu.sem_alloc : memref<!tpu.dma_semaphore, #tpu.memory_space<semaphore_mem>>
      %dma_start3A = arith.constant 0 : i32
      %dma_start3A_47 = tpu.memref_slice %arg11[%add3A_9, %dma_start3A] : memref<10240x128xf32, #tpu.memory_space<vmem_shared>> -> memref<160x128xf32, #tpu.memory_space<vmem_shared>>
      %dma_start3A_48 = arith.constant 0 : i32
      %dma_start3A_49 = tpu.memref_slice %arg11[%add3A_9, %dma_start3A_48] : memref<10240x128xf32, #tpu.memory_space<vmem_shared>> -> memref<160x128xf32, #tpu.memory_space<vmem_shared>>
      tpu.enqueue_dma source(%arg10 : memref<160x128xf32, #tpu.memory_space<vmem>>) target(%dma_start3A_49 : memref<160x128xf32, #tpu.memory_space<vmem_shared>>) target_semaphore(%run_scoped3A : memref<!tpu.dma_semaphore, #tpu.memory_space<semaphore_mem>>)
      %dma_wait3A = arith.constant 0 : i32
      %dma_wait3A_50 = tpu.memref_slice %arg11[%add3A_9, %dma_wait3A] : memref<10240x128xf32, #tpu.memory_space<vmem_shared>> -> memref<160x128xf32, #tpu.memory_space<vmem_shared>>
      %dma_wait3A_51 = arith.constant 0 : i32
      %dma_wait3A_52 = tpu.memref_slice %arg11[%add3A_9, %dma_wait3A_51] : memref<10240x128xf32, #tpu.memory_space<vmem_shared>> -> memref<160x128xf32, #tpu.memory_space<vmem_shared>>
      tpu.wait_dma2 semaphore(%run_scoped3A : memref<!tpu.dma_semaphore, #tpu.memory_space<semaphore_mem>>) src(%arg10 : memref<160x128xf32, #tpu.memory_space<vmem>>) dst(%dma_wait3A_52 : memref<160x128xf32, #tpu.memory_space<vmem_shared>>)
      tpu.yield
    }) : () -> ()
    %add3A_10 = arith.constant 480 : i32
    %add3A_11 = arith.addi %mul3A_0, %add3A_10 : i32
    "tpu.region"() ({
      %run_scoped3A = tpu.sem_alloc : memref<!tpu.dma_semaphore, #tpu.memory_space<semaphore_mem>>
      %dma_start3A = arith.constant 0 : i32
      %dma_start3A_47 = tpu.memref_slice %arg11[%add3A_11, %dma_start3A] : memref<10240x128xf32, #tpu.memory_space<vmem_shared>> -> memref<160x128xf32, #tpu.memory_space<vmem_shared>>
      %dma_start3A_48 = arith.constant 0 : i32
      %dma_start3A_49 = tpu.memref_slice %arg11[%add3A_11, %dma_start3A_48] : memref<10240x128xf32, #tpu.memory_space<vmem_shared>> -> memref<160x128xf32, #tpu.memory_space<vmem_shared>>
      tpu.enqueue_dma source(%arg10 : memref<160x128xf32, #tpu.memory_space<vmem>>) target(%dma_start3A_49 : memref<160x128xf32, #tpu.memory_space<vmem_shared>>) target_semaphore(%run_scoped3A : memref<!tpu.dma_semaphore, #tpu.memory_space<semaphore_mem>>)
      %dma_wait3A = arith.constant 0 : i32
      %dma_wait3A_50 = tpu.memref_slice %arg11[%add3A_11, %dma_wait3A] : memref<10240x128xf32, #tpu.memory_space<vmem_shared>> -> memref<160x128xf32, #tpu.memory_space<vmem_shared>>
      %dma_wait3A_51 = arith.constant 0 : i32
      %dma_wait3A_52 = tpu.memref_slice %arg11[%add3A_11, %dma_wait3A_51] : memref<10240x128xf32, #tpu.memory_space<vmem_shared>> -> memref<160x128xf32, #tpu.memory_space<vmem_shared>>
      tpu.wait_dma2 semaphore(%run_scoped3A : memref<!tpu.dma_semaphore, #tpu.memory_space<semaphore_mem>>) src(%arg10 : memref<160x128xf32, #tpu.memory_space<vmem>>) dst(%dma_wait3A_52 : memref<160x128xf32, #tpu.memory_space<vmem_shared>>)
      tpu.yield
    }) : () -> ()
    %scan3A_12 = arith.constant 0 : i32
    %scan3A_13 = arith.constant 40 : i32
    %scan3A_14 = arith.addi %scan3A_12, %scan3A_13 : i32
    %scan3A_15 = arith.constant 1 : i32
    scf.for %scan3A_47 = %scan3A_12 to %scan3A_14 step %scan3A_15  : i32 {
      %broadcast_in_dim3A = arith.constant 0.000000e+00 : f32
      %broadcast_in_dim3A_48 = vector.broadcast %broadcast_in_dim3A : f32 to vector<16xf32>
      %mul3A_49 = arith.constant 16 : i32
      %mul3A_50 = arith.muli %scan3A_47, %mul3A_49 : i32
      %swap3A = arith.index_cast %mul3A_50 : i32 to index
      %swap3A_51 = tpu.vector_load %arg14[%swap3A] {strides = array<i32>} : memref<640xf32, #tpu.memory_space<vmem>>, vector<16xf32>,
      %swap3A_52 = vector.shape_cast %swap3A_51 : vector<16xf32> to vector<16xf32>
      %swap3A_53 = vector.shape_cast %broadcast_in_dim3A_48 : vector<16xf32> to vector<16xf32>
      tpu.vector_store %arg14[%swap3A], %swap3A_53 {strides = array<i32>} : memref<640xf32, #tpu.memory_space<vmem>>, vector<16xf32>,
    }
    %scan3A_16 = arith.constant 40 : i32
    "tpu.region"() ({
      %run_scoped3A = tpu.sem_alloc : memref<!tpu.dma_semaphore, #tpu.memory_space<semaphore_mem>>
      %dma_start3A = tpu.memref_slice %arg15[%mul3A_0] : memref<10240xf32, #tpu.memory_space<vmem_shared>> -> memref<640xf32, #tpu.memory_space<vmem_shared>>
      %dma_start3A_47 = tpu.memref_slice %arg15[%mul3A_0] : memref<10240xf32, #tpu.memory_space<vmem_shared>> -> memref<640xf32, #tpu.memory_space<vmem_shared>>
      tpu.enqueue_dma source(%arg14 : memref<640xf32, #tpu.memory_space<vmem>>) target(%dma_start3A_47 : memref<640xf32, #tpu.memory_space<vmem_shared>>) target_semaphore(%run_scoped3A : memref<!tpu.dma_semaphore, #tpu.memory_space<semaphore_mem>>)
      %dma_wait3A = tpu.memref_slice %arg15[%mul3A_0] : memref<10240xf32, #tpu.memory_space<vmem_shared>> -> memref<640xf32, #tpu.memory_space<vmem_shared>>
      %dma_wait3A_48 = tpu.memref_slice %arg15[%mul3A_0] : memref<10240xf32, #tpu.memory_space<vmem_shared>> -> memref<640xf32, #tpu.memory_space<vmem_shared>>
      tpu.wait_dma2 semaphore(%run_scoped3A : memref<!tpu.dma_semaphore, #tpu.memory_space<semaphore_mem>>) src(%arg14 : memref<640xf32, #tpu.memory_space<vmem>>) dst(%dma_wait3A_48 : memref<640xf32, #tpu.memory_space<vmem_shared>>)
      tpu.yield
    }) : () -> ()
    %scan3A_17 = arith.constant 0 : i32
    %scan3A_18 = arith.constant 8 : i32
    %scan3A_19 = arith.addi %scan3A_17, %scan3A_18 : i32
    %scan3A_20 = arith.constant 1 : i32
    scf.for %scan3A_47 = %scan3A_17 to %scan3A_19 step %scan3A_20  : i32 {
      %broadcast_in_dim3A = arith.constant 1.000000e+00 : f32
      %broadcast_in_dim3A_48 = vector.broadcast %broadcast_in_dim3A : f32 to vector<16xf32>
      %mul3A_49 = arith.constant 16 : i32
      %mul3A_50 = arith.muli %scan3A_47, %mul3A_49 : i32
      %swap3A = arith.index_cast %mul3A_50 : i32 to index
      %swap3A_51 = tpu.vector_load %arg13[%swap3A] {strides = array<i32>} : memref<128xf32, #tpu.memory_space<vmem>>, vector<16xf32>,
      %swap3A_52 = vector.shape_cast %swap3A_51 : vector<16xf32> to vector<16xf32>
      %swap3A_53 = vector.shape_cast %broadcast_in_dim3A_48 : vector<16xf32> to vector<16xf32>
      tpu.vector_store %arg13[%swap3A], %swap3A_53 {strides = array<i32>} : memref<128xf32, #tpu.memory_space<vmem>>, vector<16xf32>,
    }
    %scan3A_21 = arith.constant 8 : i32
    %barrier3A = arith.constant 0 : index
    tpu.barrier barrier_id(%barrier3A)
    %mul3A_22 = arith.constant 156 : i32
    %mul3A_23 = arith.muli %arg1, %mul3A_22 : i32
    %min3A = arith.constant 4 : i32
    %min3A_24 = arith.minsi %arg1, %min3A : i32
    %add3A_25 = arith.addi %mul3A_23, %min3A_24 : i32
    %lt3A = arith.constant 4 : i32
    %lt3A_26 = arith.cmpi slt, %arg1, %lt3A : i32
    %jit3A = arith.constant 1 : i32
    %jit3A_27 = arith.constant 0 : i32
    %select_n3A = arith.select %lt3A_26, %jit3A, %jit3A_27 : i32
    %add3A_28 = arith.constant 156 : i32
    %add3A_29 = arith.addi %add3A_28, %select_n3A : i32
    %while3A = arith.constant 0 : i32
    %while3A_30 = arith.subi %add3A_29, %while3A : i32
    %while3A_31 = arith.addi %while3A, %while3A_30 : i32
    %while3A_32 = arith.constant 1 : i32
    %while3A_33 = arith.divsi %while3A_30, %while3A_32 : i32
    %while3A_34 = arith.muli %while3A_33, %while3A_32 : i32
    %while3A_35 = arith.addi %while3A, %while3A_34 : i32
    %while3A_36 = arith.constant 1 : i32
    scf.for %while3A_47 = %while3A to %while3A_35 step %while3A_36  : i32 {
      %add3A_48 = arith.addi %add3A_25, %while3A_47 : i32
      "tpu.region"() ({
        %run_scoped3A = tpu.sem_alloc : memref<!tpu.dma_semaphore, #tpu.memory_space<semaphore_mem>>
        %dma_start3A_53 = arith.constant 0 : i32
        %dma_start3A_54 = tpu.memref_slice %arg3[%arg0, %add3A_48, %dma_start3A_53] : memref<2x2500x128xi32, #tpu.memory_space<hbm>> -> memref<1x1x128xi32, #tpu.memory_space<hbm>>
        %dma_start3A_55 = tpu.memref_squeeze %dma_start3A_54 : memref<1x1x128xi32, #tpu.memory_space<hbm>> -> memref<128xi32, #tpu.memory_space<hbm>>
        %dma_start3A_56 = arith.constant 0 : i32
        %dma_start3A_57 = tpu.memref_slice %arg3[%arg0, %add3A_48, %dma_start3A_56] : memref<2x2500x128xi32, #tpu.memory_space<hbm>> -> memref<1x1x128xi32, #tpu.memory_space<hbm>>
        %dma_start3A_58 = tpu.memref_squeeze %dma_start3A_57 : memref<1x1x128xi32, #tpu.memory_space<hbm>> -> memref<128xi32, #tpu.memory_space<hbm>>
        tpu.enqueue_dma source(%dma_start3A_58 : memref<128xi32, #tpu.memory_space<hbm>>) target(%arg7 : memref<128xi32, #tpu.memory_space<vmem>>) target_semaphore(%run_scoped3A : memref<!tpu.dma_semaphore, #tpu.memory_space<semaphore_mem>>)
        %dma_wait3A_59 = arith.constant 0 : i32
        %dma_wait3A_60 = tpu.memref_slice %arg3[%arg0, %add3A_48, %dma_wait3A_59] : memref<2x2500x128xi32, #tpu.memory_space<hbm>> -> memref<1x1x128xi32, #tpu.memory_space<hbm>>
        %dma_wait3A_61 = tpu.memref_squeeze %dma_wait3A_60 : memref<1x1x128xi32, #tpu.memory_space<hbm>> -> memref<128xi32, #tpu.memory_space<hbm>>
        %dma_wait3A_62 = arith.constant 0 : i32
        %dma_wait3A_63 = tpu.memref_slice %arg3[%arg0, %add3A_48, %dma_wait3A_62] : memref<2x2500x128xi32, #tpu.memory_space<hbm>> -> memref<1x1x128xi32, #tpu.memory_space<hbm>>
        %dma_wait3A_64 = tpu.memref_squeeze %dma_wait3A_63 : memref<1x1x128xi32, #tpu.memory_space<hbm>> -> memref<128xi32, #tpu.memory_space<hbm>>
        tpu.wait_dma2 semaphore(%run_scoped3A : memref<!tpu.dma_semaphore, #tpu.memory_space<semaphore_mem>>) src(%dma_wait3A_64 : memref<128xi32, #tpu.memory_space<hbm>>) dst(%arg7 : memref<128xi32, #tpu.memory_space<vmem>>)
        tpu.yield
      }) : () -> ()
      "tpu.region"() ({
        %run_scoped3A = tpu.sem_alloc : memref<!tpu.dma_semaphore, #tpu.memory_space<semaphore_mem>>
        %dma_start3A_53 = arith.constant 0 : i32
        %dma_start3A_54 = tpu.memref_slice %arg4[%arg0, %add3A_48, %dma_start3A_53] : memref<2x2500x128xi32, #tpu.memory_space<hbm>> -> memref<1x1x128xi32, #tpu.memory_space<hbm>>
        %dma_start3A_55 = tpu.memref_squeeze %dma_start3A_54 : memref<1x1x128xi32, #tpu.memory_space<hbm>> -> memref<128xi32, #tpu.memory_space<hbm>>
        %dma_start3A_56 = arith.constant 0 : i32
        %dma_start3A_57 = tpu.memref_slice %arg4[%arg0, %add3A_48, %dma_start3A_56] : memref<2x2500x128xi32, #tpu.memory_space<hbm>> -> memref<1x1x128xi32, #tpu.memory_space<hbm>>
        %dma_start3A_58 = tpu.memref_squeeze %dma_start3A_57 : memref<1x1x128xi32, #tpu.memory_space<hbm>> -> memref<128xi32, #tpu.memory_space<hbm>>
        tpu.enqueue_dma source(%dma_start3A_58 : memref<128xi32, #tpu.memory_space<hbm>>) target(%arg8 : memref<128xi32, #tpu.memory_space<vmem>>) target_semaphore(%run_scoped3A : memref<!tpu.dma_semaphore, #tpu.memory_space<semaphore_mem>>)
        %dma_wait3A_59 = arith.constant 0 : i32
        %dma_wait3A_60 = tpu.memref_slice %arg4[%arg0, %add3A_48, %dma_wait3A_59] : memref<2x2500x128xi32, #tpu.memory_space<hbm>> -> memref<1x1x128xi32, #tpu.memory_space<hbm>>
        %dma_wait3A_61 = tpu.memref_squeeze %dma_wait3A_60 : memref<1x1x128xi32, #tpu.memory_space<hbm>> -> memref<128xi32, #tpu.memory_space<hbm>>
        %dma_wait3A_62 = arith.constant 0 : i32
        %dma_wait3A_63 = tpu.memref_slice %arg4[%arg0, %add3A_48, %dma_wait3A_62] : memref<2x2500x128xi32, #tpu.memory_space<hbm>> -> memref<1x1x128xi32, #tpu.memory_space<hbm>>
        %dma_wait3A_64 = tpu.memref_squeeze %dma_wait3A_63 : memref<1x1x128xi32, #tpu.memory_space<hbm>> -> memref<128xi32, #tpu.memory_space<hbm>>
        tpu.wait_dma2 semaphore(%run_scoped3A : memref<!tpu.dma_semaphore, #tpu.memory_space<semaphore_mem>>) src(%dma_wait3A_64 : memref<128xi32, #tpu.memory_space<hbm>>) dst(%arg8 : memref<128xi32, #tpu.memory_space<vmem>>)
        tpu.yield
      }) : () -> ()
      %dma_start3A = arith.constant 0 : i32
      %dma_start3A_49 = arith.constant 0 : i32
      %dma_start3A_50 = tpu.memref_slice %arg2[%dma_start3A, %dma_start3A_49] : memref<10000x128xf32, #tpu.memory_space<hbm>> -> memref<10000x128xf32, #tpu.memory_space<hbm>>
      tpu.enqueue_indirect_dma source(%dma_start3A_50 : memref<10000x128xf32, #tpu.memory_space<hbm>>) target(%arg9 : memref<128x128xf32, #tpu.memory_space<vmem>>) offsets(%arg7 : memref<128xi32, #tpu.memory_space<vmem>>) semaphore(%arg12 : memref<!tpu.dma_semaphore, #tpu.memory_space<semaphore_mem>>)
      %dma_wait3A = arith.constant 0 : i32
      %dma_wait3A_51 = arith.constant 0 : i32
      %dma_wait3A_52 = tpu.memref_slice %arg2[%dma_wait3A, %dma_wait3A_51] : memref<10000x128xf32, #tpu.memory_space<hbm>> -> memref<10000x128xf32, #tpu.memory_space<hbm>>
      tpu.wait_indirect_dma semaphore(%arg12 : memref<!tpu.dma_semaphore, #tpu.memory_space<semaphore_mem>>) src(%dma_wait3A_52 : memref<10000x128xf32, #tpu.memory_space<hbm>>) dst(%arg9 : memref<128x128xf32, #tpu.memory_space<vmem>>)
      "tpu.region"() ({
        %run_scoped3A = tpu.sem_alloc : memref<!tpu.dma_semaphore, #tpu.memory_space<semaphore_mem>>
        %dma_start3A_53 = arith.constant 0 : i32
        %dma_start3A_54 = arith.constant 0 : i32
        %dma_start3A_55 = tpu.memref_slice %arg11[%dma_start3A_53, %dma_start3A_54] : memref<10240x128xf32, #tpu.memory_space<vmem_shared>> -> memref<10240x128xf32, #tpu.memory_space<vmem_shared>>
        tpu.enqueue_indirect_dma source(%arg9 : memref<128x128xf32, #tpu.memory_space<vmem>>) target(%dma_start3A_55 : memref<10240x128xf32, #tpu.memory_space<vmem_shared>>) offsets(%arg8 : memref<128xi32, #tpu.memory_space<vmem>>) semaphore(%run_scoped3A : memref<!tpu.dma_semaphore, #tpu.memory_space<semaphore_mem>>) {add = true}
        %dma_wait3A_56 = arith.constant 0 : i32
        %dma_wait3A_57 = arith.constant 0 : i32
        %dma_wait3A_58 = tpu.memref_slice %arg11[%dma_wait3A_56, %dma_wait3A_57] : memref<10240x128xf32, #tpu.memory_space<vmem_shared>> -> memref<10240x128xf32, #tpu.memory_space<vmem_shared>>
        tpu.wait_indirect_dma semaphore(%run_scoped3A : memref<!tpu.dma_semaphore, #tpu.memory_space<semaphore_mem>>) src(%arg9 : memref<128x128xf32, #tpu.memory_space<vmem>>) dst(%dma_wait3A_58 : memref<10240x128xf32, #tpu.memory_space<vmem_shared>>)
        tpu.yield
      }) : () -> ()
      "tpu.region"() ({
        %run_scoped3A = tpu.sem_alloc : memref<!tpu.dma_semaphore, #tpu.memory_space<semaphore_mem>>
        %dma_start3A_53 = arith.constant 0 : i32
        %dma_start3A_54 = tpu.memref_slice %arg15[%dma_start3A_53] : memref<10240xf32, #tpu.memory_space<vmem_shared>> -> memref<10240xf32, #tpu.memory_space<vmem_shared>>
        tpu.enqueue_indirect_dma source(%arg13 : memref<128xf32, #tpu.memory_space<vmem>>) target(%dma_start3A_54 : memref<10240xf32, #tpu.memory_space<vmem_shared>>) offsets(%arg8 : memref<128xi32, #tpu.memory_space<vmem>>) semaphore(%run_scoped3A : memref<!tpu.dma_semaphore, #tpu.memory_space<semaphore_mem>>) {add = true}
        %dma_wait3A_55 = arith.constant 0 : i32
        %dma_wait3A_56 = tpu.memref_slice %arg15[%dma_wait3A_55] : memref<10240xf32, #tpu.memory_space<vmem_shared>> -> memref<10240xf32, #tpu.memory_space<vmem_shared>>
        tpu.wait_indirect_dma semaphore(%run_scoped3A : memref<!tpu.dma_semaphore, #tpu.memory_space<semaphore_mem>>) src(%arg13 : memref<128xf32, #tpu.memory_space<vmem>>) dst(%dma_wait3A_56 : memref<10240xf32, #tpu.memory_space<vmem_shared>>)
        tpu.yield
      }) : () -> ()
    }
    %while3A_37 = arith.constant 1 : i32
    scf.for %while3A_47 = %while3A_35 to %while3A_31 step %while3A_37  : i32 {
      %add3A_48 = arith.addi %add3A_25, %while3A_47 : i32
      "tpu.region"() ({
        %run_scoped3A = tpu.sem_alloc : memref<!tpu.dma_semaphore, #tpu.memory_space<semaphore_mem>>
        %dma_start3A_53 = arith.constant 0 : i32
        %dma_start3A_54 = tpu.memref_slice %arg3[%arg0, %add3A_48, %dma_start3A_53] : memref<2x2500x128xi32, #tpu.memory_space<hbm>> -> memref<1x1x128xi32, #tpu.memory_space<hbm>>
        %dma_start3A_55 = tpu.memref_squeeze %dma_start3A_54 : memref<1x1x128xi32, #tpu.memory_space<hbm>> -> memref<128xi32, #tpu.memory_space<hbm>>
        %dma_start3A_56 = arith.constant 0 : i32
        %dma_start3A_57 = tpu.memref_slice %arg3[%arg0, %add3A_48, %dma_start3A_56] : memref<2x2500x128xi32, #tpu.memory_space<hbm>> -> memref<1x1x128xi32, #tpu.memory_space<hbm>>
        %dma_start3A_58 = tpu.memref_squeeze %dma_start3A_57 : memref<1x1x128xi32, #tpu.memory_space<hbm>> -> memref<128xi32, #tpu.memory_space<hbm>>
        tpu.enqueue_dma source(%dma_start3A_58 : memref<128xi32, #tpu.memory_space<hbm>>) target(%arg7 : memref<128xi32, #tpu.memory_space<vmem>>) target_semaphore(%run_scoped3A : memref<!tpu.dma_semaphore, #tpu.memory_space<semaphore_mem>>)
        %dma_wait3A_59 = arith.constant 0 : i32
        %dma_wait3A_60 = tpu.memref_slice %arg3[%arg0, %add3A_48, %dma_wait3A_59] : memref<2x2500x128xi32, #tpu.memory_space<hbm>> -> memref<1x1x128xi32, #tpu.memory_space<hbm>>
        %dma_wait3A_61 = tpu.memref_squeeze %dma_wait3A_60 : memref<1x1x128xi32, #tpu.memory_space<hbm>> -> memref<128xi32, #tpu.memory_space<hbm>>
        %dma_wait3A_62 = arith.constant 0 : i32
        %dma_wait3A_63 = tpu.memref_slice %arg3[%arg0, %add3A_48, %dma_wait3A_62] : memref<2x2500x128xi32, #tpu.memory_space<hbm>> -> memref<1x1x128xi32, #tpu.memory_space<hbm>>
        %dma_wait3A_64 = tpu.memref_squeeze %dma_wait3A_63 : memref<1x1x128xi32, #tpu.memory_space<hbm>> -> memref<128xi32, #tpu.memory_space<hbm>>
        tpu.wait_dma2 semaphore(%run_scoped3A : memref<!tpu.dma_semaphore, #tpu.memory_space<semaphore_mem>>) src(%dma_wait3A_64 : memref<128xi32, #tpu.memory_space<hbm>>) dst(%arg7 : memref<128xi32, #tpu.memory_space<vmem>>)
        tpu.yield
      }) : () -> ()
      "tpu.region"() ({
        %run_scoped3A = tpu.sem_alloc : memref<!tpu.dma_semaphore, #tpu.memory_space<semaphore_mem>>
        %dma_start3A_53 = arith.constant 0 : i32
        %dma_start3A_54 = tpu.memref_slice %arg4[%arg0, %add3A_48, %dma_start3A_53] : memref<2x2500x128xi32, #tpu.memory_space<hbm>> -> memref<1x1x128xi32, #tpu.memory_space<hbm>>
        %dma_start3A_55 = tpu.memref_squeeze %dma_start3A_54 : memref<1x1x128xi32, #tpu.memory_space<hbm>> -> memref<128xi32, #tpu.memory_space<hbm>>
        %dma_start3A_56 = arith.constant 0 : i32
        %dma_start3A_57 = tpu.memref_slice %arg4[%arg0, %add3A_48, %dma_start3A_56] : memref<2x2500x128xi32, #tpu.memory_space<hbm>> -> memref<1x1x128xi32, #tpu.memory_space<hbm>>
        %dma_start3A_58 = tpu.memref_squeeze %dma_start3A_57 : memref<1x1x128xi32, #tpu.memory_space<hbm>> -> memref<128xi32, #tpu.memory_space<hbm>>
        tpu.enqueue_dma source(%dma_start3A_58 : memref<128xi32, #tpu.memory_space<hbm>>) target(%arg8 : memref<128xi32, #tpu.memory_space<vmem>>) target_semaphore(%run_scoped3A : memref<!tpu.dma_semaphore, #tpu.memory_space<semaphore_mem>>)
        %dma_wait3A_59 = arith.constant 0 : i32
        %dma_wait3A_60 = tpu.memref_slice %arg4[%arg0, %add3A_48, %dma_wait3A_59] : memref<2x2500x128xi32, #tpu.memory_space<hbm>> -> memref<1x1x128xi32, #tpu.memory_space<hbm>>
        %dma_wait3A_61 = tpu.memref_squeeze %dma_wait3A_60 : memref<1x1x128xi32, #tpu.memory_space<hbm>> -> memref<128xi32, #tpu.memory_space<hbm>>
        %dma_wait3A_62 = arith.constant 0 : i32
        %dma_wait3A_63 = tpu.memref_slice %arg4[%arg0, %add3A_48, %dma_wait3A_62] : memref<2x2500x128xi32, #tpu.memory_space<hbm>> -> memref<1x1x128xi32, #tpu.memory_space<hbm>>
        %dma_wait3A_64 = tpu.memref_squeeze %dma_wait3A_63 : memref<1x1x128xi32, #tpu.memory_space<hbm>> -> memref<128xi32, #tpu.memory_space<hbm>>
        tpu.wait_dma2 semaphore(%run_scoped3A : memref<!tpu.dma_semaphore, #tpu.memory_space<semaphore_mem>>) src(%dma_wait3A_64 : memref<128xi32, #tpu.memory_space<hbm>>) dst(%arg8 : memref<128xi32, #tpu.memory_space<vmem>>)
        tpu.yield
      }) : () -> ()
      %dma_start3A = arith.constant 0 : i32
      %dma_start3A_49 = arith.constant 0 : i32
      %dma_start3A_50 = tpu.memref_slice %arg2[%dma_start3A, %dma_start3A_49] : memref<10000x128xf32, #tpu.memory_space<hbm>> -> memref<10000x128xf32, #tpu.memory_space<hbm>>
      tpu.enqueue_indirect_dma source(%dma_start3A_50 : memref<10000x128xf32, #tpu.memory_space<hbm>>) target(%arg9 : memref<128x128xf32, #tpu.memory_space<vmem>>) offsets(%arg7 : memref<128xi32, #tpu.memory_space<vmem>>) semaphore(%arg12 : memref<!tpu.dma_semaphore, #tpu.memory_space<semaphore_mem>>)
      %dma_wait3A = arith.constant 0 : i32
      %dma_wait3A_51 = arith.constant 0 : i32
      %dma_wait3A_52 = tpu.memref_slice %arg2[%dma_wait3A, %dma_wait3A_51] : memref<10000x128xf32, #tpu.memory_space<hbm>> -> memref<10000x128xf32, #tpu.memory_space<hbm>>
      tpu.wait_indirect_dma semaphore(%arg12 : memref<!tpu.dma_semaphore, #tpu.memory_space<semaphore_mem>>) src(%dma_wait3A_52 : memref<10000x128xf32, #tpu.memory_space<hbm>>) dst(%arg9 : memref<128x128xf32, #tpu.memory_space<vmem>>)
      "tpu.region"() ({
        %run_scoped3A = tpu.sem_alloc : memref<!tpu.dma_semaphore, #tpu.memory_space<semaphore_mem>>
        %dma_start3A_53 = arith.constant 0 : i32
        %dma_start3A_54 = arith.constant 0 : i32
        %dma_start3A_55 = tpu.memref_slice %arg11[%dma_start3A_53, %dma_start3A_54] : memref<10240x128xf32, #tpu.memory_space<vmem_shared>> -> memref<10240x128xf32, #tpu.memory_space<vmem_shared>>
        tpu.enqueue_indirect_dma source(%arg9 : memref<128x128xf32, #tpu.memory_space<vmem>>) target(%dma_start3A_55 : memref<10240x128xf32, #tpu.memory_space<vmem_shared>>) offsets(%arg8 : memref<128xi32, #tpu.memory_space<vmem>>) semaphore(%run_scoped3A : memref<!tpu.dma_semaphore, #tpu.memory_space<semaphore_mem>>) {add = true}
        %dma_wait3A_56 = arith.constant 0 : i32
        %dma_wait3A_57 = arith.constant 0 : i32
        %dma_wait3A_58 = tpu.memref_slice %arg11[%dma_wait3A_56, %dma_wait3A_57] : memref<10240x128xf32, #tpu.memory_space<vmem_shared>> -> memref<10240x128xf32, #tpu.memory_space<vmem_shared>>
        tpu.wait_indirect_dma semaphore(%run_scoped3A : memref<!tpu.dma_semaphore, #tpu.memory_space<semaphore_mem>>) src(%arg9 : memref<128x128xf32, #tpu.memory_space<vmem>>) dst(%dma_wait3A_58 : memref<10240x128xf32, #tpu.memory_space<vmem_shared>>)
        tpu.yield
      }) : () -> ()
      "tpu.region"() ({
        %run_scoped3A = tpu.sem_alloc : memref<!tpu.dma_semaphore, #tpu.memory_space<semaphore_mem>>
        %dma_start3A_53 = arith.constant 0 : i32
        %dma_start3A_54 = tpu.memref_slice %arg15[%dma_start3A_53] : memref<10240xf32, #tpu.memory_space<vmem_shared>> -> memref<10240xf32, #tpu.memory_space<vmem_shared>>
        tpu.enqueue_indirect_dma source(%arg13 : memref<128xf32, #tpu.memory_space<vmem>>) target(%dma_start3A_54 : memref<10240xf32, #tpu.memory_space<vmem_shared>>) offsets(%arg8 : memref<128xi32, #tpu.memory_space<vmem>>) semaphore(%run_scoped3A : memref<!tpu.dma_semaphore, #tpu.memory_space<semaphore_mem>>) {add = true}
        %dma_wait3A_55 = arith.constant 0 : i32
        %dma_wait3A_56 = tpu.memref_slice %arg15[%dma_wait3A_55] : memref<10240xf32, #tpu.memory_space<vmem_shared>> -> memref<10240xf32, #tpu.memory_space<vmem_shared>>
        tpu.wait_indirect_dma semaphore(%run_scoped3A : memref<!tpu.dma_semaphore, #tpu.memory_space<semaphore_mem>>) src(%arg13 : memref<128xf32, #tpu.memory_space<vmem>>) dst(%dma_wait3A_56 : memref<10240xf32, #tpu.memory_space<vmem_shared>>)
        tpu.yield
      }) : () -> ()
    }
    %barrier3A_38 = arith.constant 0 : index
    tpu.barrier barrier_id(%barrier3A_38)
    %add3A_39 = arith.constant 0 : i32
    %add3A_40 = arith.addi %mul3A_0, %add3A_39 : i32
    "tpu.region"() ({
      %run_scoped3A = tpu.sem_alloc : memref<!tpu.dma_semaphore, #tpu.memory_space<semaphore_mem>>
      %dma_start3A = arith.constant 0 : i32
      %dma_start3A_47 = tpu.memref_slice %arg11[%add3A_40, %dma_start3A] : memref<10240x128xf32, #tpu.memory_space<vmem_shared>> -> memref<160x128xf32, #tpu.memory_space<vmem_shared>>
      %dma_start3A_48 = arith.constant 0 : i32
      %dma_start3A_49 = tpu.memref_slice %arg11[%add3A_40, %dma_start3A_48] : memref<10240x128xf32, #tpu.memory_space<vmem_shared>> -> memref<160x128xf32, #tpu.memory_space<vmem_shared>>
      tpu.enqueue_dma source(%dma_start3A_49 : memref<160x128xf32, #tpu.memory_space<vmem_shared>>) target(%arg10 : memref<160x128xf32, #tpu.memory_space<vmem>>) target_semaphore(%run_scoped3A : memref<!tpu.dma_semaphore, #tpu.memory_space<semaphore_mem>>)
      %dma_wait3A = arith.constant 0 : i32
      %dma_wait3A_50 = tpu.memref_slice %arg11[%add3A_40, %dma_wait3A] : memref<10240x128xf32, #tpu.memory_space<vmem_shared>> -> memref<160x128xf32, #tpu.memory_space<vmem_shared>>
      %dma_wait3A_51 = arith.constant 0 : i32
      %dma_wait3A_52 = tpu.memref_slice %arg11[%add3A_40, %dma_wait3A_51] : memref<10240x128xf32, #tpu.memory_space<vmem_shared>> -> memref<160x128xf32, #tpu.memory_space<vmem_shared>>
      tpu.wait_dma2 semaphore(%run_scoped3A : memref<!tpu.dma_semaphore, #tpu.memory_space<semaphore_mem>>) src(%dma_wait3A_52 : memref<160x128xf32, #tpu.memory_space<vmem_shared>>) dst(%arg10 : memref<160x128xf32, #tpu.memory_space<vmem>>)
      tpu.yield
    }) : () -> ()
    "tpu.region"() ({
      %run_scoped3A = tpu.sem_alloc : memref<!tpu.dma_semaphore, #tpu.memory_space<semaphore_mem>>
      %dma_start3A = arith.constant 0 : i32
      %dma_start3A_47 = tpu.memref_slice %arg5[%arg0, %add3A_40, %dma_start3A] : memref<2x10240x128xf32, #tpu.memory_space<hbm>> -> memref<1x160x128xf32, #tpu.memory_space<hbm>>
      %dma_start3A_48 = tpu.memref_squeeze %dma_start3A_47 : memref<1x160x128xf32, #tpu.memory_space<hbm>> -> memref<160x128xf32, #tpu.memory_space<hbm>>
      %dma_start3A_49 = arith.constant 0 : i32
      %dma_start3A_50 = tpu.memref_slice %arg5[%arg0, %add3A_40, %dma_start3A_49] : memref<2x10240x128xf32, #tpu.memory_space<hbm>> -> memref<1x160x128xf32, #tpu.memory_space<hbm>>
      %dma_start3A_51 = tpu.memref_squeeze %dma_start3A_50 : memref<1x160x128xf32, #tpu.memory_space<hbm>> -> memref<160x128xf32, #tpu.memory_space<hbm>>
      tpu.enqueue_dma source(%arg10 : memref<160x128xf32, #tpu.memory_space<vmem>>) target(%dma_start3A_51 : memref<160x128xf32, #tpu.memory_space<hbm>>) target_semaphore(%run_scoped3A : memref<!tpu.dma_semaphore, #tpu.memory_space<semaphore_mem>>)
      %dma_wait3A = arith.constant 0 : i32
      %dma_wait3A_52 = tpu.memref_slice %arg5[%arg0, %add3A_40, %dma_wait3A] : memref<2x10240x128xf32, #tpu.memory_space<hbm>> -> memref<1x160x128xf32, #tpu.memory_space<hbm>>
      %dma_wait3A_53 = tpu.memref_squeeze %dma_wait3A_52 : memref<1x160x128xf32, #tpu.memory_space<hbm>> -> memref<160x128xf32, #tpu.memory_space<hbm>>
      %dma_wait3A_54 = arith.constant 0 : i32
      %dma_wait3A_55 = tpu.memref_slice %arg5[%arg0, %add3A_40, %dma_wait3A_54] : memref<2x10240x128xf32, #tpu.memory_space<hbm>> -> memref<1x160x128xf32, #tpu.memory_space<hbm>>
      %dma_wait3A_56 = tpu.memref_squeeze %dma_wait3A_55 : memref<1x160x128xf32, #tpu.memory_space<hbm>> -> memref<160x128xf32, #tpu.memory_space<hbm>>
      tpu.wait_dma2 semaphore(%run_scoped3A : memref<!tpu.dma_semaphore, #tpu.memory_space<semaphore_mem>>) src(%arg10 : memref<160x128xf32, #tpu.memory_space<vmem>>) dst(%dma_wait3A_56 : memref<160x128xf32, #tpu.memory_space<hbm>>)
      tpu.yield
    }) : () -> ()
    %add3A_41 = arith.constant 160 : i32
    %add3A_42 = arith.addi %mul3A_0, %add3A_41 : i32
    "tpu.region"() ({
      %run_scoped3A = tpu.sem_alloc : memref<!tpu.dma_semaphore, #tpu.memory_space<semaphore_mem>>
      %dma_start3A = arith.constant 0 : i32
      %dma_start3A_47 = tpu.memref_slice %arg11[%add3A_42, %dma_start3A] : memref<10240x128xf32, #tpu.memory_space<vmem_shared>> -> memref<160x128xf32, #tpu.memory_space<vmem_shared>>
      %dma_start3A_48 = arith.constant 0 : i32
      %dma_start3A_49 = tpu.memref_slice %arg11[%add3A_42, %dma_start3A_48] : memref<10240x128xf32, #tpu.memory_space<vmem_shared>> -> memref<160x128xf32, #tpu.memory_space<vmem_shared>>
      tpu.enqueue_dma source(%dma_start3A_49 : memref<160x128xf32, #tpu.memory_space<vmem_shared>>) target(%arg10 : memref<160x128xf32, #tpu.memory_space<vmem>>) target_semaphore(%run_scoped3A : memref<!tpu.dma_semaphore, #tpu.memory_space<semaphore_mem>>)
      %dma_wait3A = arith.constant 0 : i32
      %dma_wait3A_50 = tpu.memref_slice %arg11[%add3A_42, %dma_wait3A] : memref<10240x128xf32, #tpu.memory_space<vmem_shared>> -> memref<160x128xf32, #tpu.memory_space<vmem_shared>>
      %dma_wait3A_51 = arith.constant 0 : i32
      %dma_wait3A_52 = tpu.memref_slice %arg11[%add3A_42, %dma_wait3A_51] : memref<10240x128xf32, #tpu.memory_space<vmem_shared>> -> memref<160x128xf32, #tpu.memory_space<vmem_shared>>
      tpu.wait_dma2 semaphore(%run_scoped3A : memref<!tpu.dma_semaphore, #tpu.memory_space<semaphore_mem>>) src(%dma_wait3A_52 : memref<160x128xf32, #tpu.memory_space<vmem_shared>>) dst(%arg10 : memref<160x128xf32, #tpu.memory_space<vmem>>)
      tpu.yield
    }) : () -> ()
    "tpu.region"() ({
      %run_scoped3A = tpu.sem_alloc : memref<!tpu.dma_semaphore, #tpu.memory_space<semaphore_mem>>
      %dma_start3A = arith.constant 0 : i32
      %dma_start3A_47 = tpu.memref_slice %arg5[%arg0, %add3A_42, %dma_start3A] : memref<2x10240x128xf32, #tpu.memory_space<hbm>> -> memref<1x160x128xf32, #tpu.memory_space<hbm>>
      %dma_start3A_48 = tpu.memref_squeeze %dma_start3A_47 : memref<1x160x128xf32, #tpu.memory_space<hbm>> -> memref<160x128xf32, #tpu.memory_space<hbm>>
      %dma_start3A_49 = arith.constant 0 : i32
      %dma_start3A_50 = tpu.memref_slice %arg5[%arg0, %add3A_42, %dma_start3A_49] : memref<2x10240x128xf32, #tpu.memory_space<hbm>> -> memref<1x160x128xf32, #tpu.memory_space<hbm>>
      %dma_start3A_51 = tpu.memref_squeeze %dma_start3A_50 : memref<1x160x128xf32, #tpu.memory_space<hbm>> -> memref<160x128xf32, #tpu.memory_space<hbm>>
      tpu.enqueue_dma source(%arg10 : memref<160x128xf32, #tpu.memory_space<vmem>>) target(%dma_start3A_51 : memref<160x128xf32, #tpu.memory_space<hbm>>) target_semaphore(%run_scoped3A : memref<!tpu.dma_semaphore, #tpu.memory_space<semaphore_mem>>)
      %dma_wait3A = arith.constant 0 : i32
      %dma_wait3A_52 = tpu.memref_slice %arg5[%arg0, %add3A_42, %dma_wait3A] : memref<2x10240x128xf32, #tpu.memory_space<hbm>> -> memref<1x160x128xf32, #tpu.memory_space<hbm>>
      %dma_wait3A_53 = tpu.memref_squeeze %dma_wait3A_52 : memref<1x160x128xf32, #tpu.memory_space<hbm>> -> memref<160x128xf32, #tpu.memory_space<hbm>>
      %dma_wait3A_54 = arith.constant 0 : i32
      %dma_wait3A_55 = tpu.memref_slice %arg5[%arg0, %add3A_42, %dma_wait3A_54] : memref<2x10240x128xf32, #tpu.memory_space<hbm>> -> memref<1x160x128xf32, #tpu.memory_space<hbm>>
      %dma_wait3A_56 = tpu.memref_squeeze %dma_wait3A_55 : memref<1x160x128xf32, #tpu.memory_space<hbm>> -> memref<160x128xf32, #tpu.memory_space<hbm>>
      tpu.wait_dma2 semaphore(%run_scoped3A : memref<!tpu.dma_semaphore, #tpu.memory_space<semaphore_mem>>) src(%arg10 : memref<160x128xf32, #tpu.memory_space<vmem>>) dst(%dma_wait3A_56 : memref<160x128xf32, #tpu.memory_space<hbm>>)
      tpu.yield
    }) : () -> ()
    %add3A_43 = arith.constant 320 : i32
    %add3A_44 = arith.addi %mul3A_0, %add3A_43 : i32
    "tpu.region"() ({
      %run_scoped3A = tpu.sem_alloc : memref<!tpu.dma_semaphore, #tpu.memory_space<semaphore_mem>>
      %dma_start3A = arith.constant 0 : i32
      %dma_start3A_47 = tpu.memref_slice %arg11[%add3A_44, %dma_start3A] : memref<10240x128xf32, #tpu.memory_space<vmem_shared>> -> memref<160x128xf32, #tpu.memory_space<vmem_shared>>
      %dma_start3A_48 = arith.constant 0 : i32
      %dma_start3A_49 = tpu.memref_slice %arg11[%add3A_44, %dma_start3A_48] : memref<10240x128xf32, #tpu.memory_space<vmem_shared>> -> memref<160x128xf32, #tpu.memory_space<vmem_shared>>
      tpu.enqueue_dma source(%dma_start3A_49 : memref<160x128xf32, #tpu.memory_space<vmem_shared>>) target(%arg10 : memref<160x128xf32, #tpu.memory_space<vmem>>) target_semaphore(%run_scoped3A : memref<!tpu.dma_semaphore, #tpu.memory_space<semaphore_mem>>)
      %dma_wait3A = arith.constant 0 : i32
      %dma_wait3A_50 = tpu.memref_slice %arg11[%add3A_44, %dma_wait3A] : memref<10240x128xf32, #tpu.memory_space<vmem_shared>> -> memref<160x128xf32, #tpu.memory_space<vmem_shared>>
      %dma_wait3A_51 = arith.constant 0 : i32
      %dma_wait3A_52 = tpu.memref_slice %arg11[%add3A_44, %dma_wait3A_51] : memref<10240x128xf32, #tpu.memory_space<vmem_shared>> -> memref<160x128xf32, #tpu.memory_space<vmem_shared>>
      tpu.wait_dma2 semaphore(%run_scoped3A : memref<!tpu.dma_semaphore, #tpu.memory_space<semaphore_mem>>) src(%dma_wait3A_52 : memref<160x128xf32, #tpu.memory_space<vmem_shared>>) dst(%arg10 : memref<160x128xf32, #tpu.memory_space<vmem>>)
      tpu.yield
    }) : () -> ()
    "tpu.region"() ({
      %run_scoped3A = tpu.sem_alloc : memref<!tpu.dma_semaphore, #tpu.memory_space<semaphore_mem>>
      %dma_start3A = arith.constant 0 : i32
      %dma_start3A_47 = tpu.memref_slice %arg5[%arg0, %add3A_44, %dma_start3A] : memref<2x10240x128xf32, #tpu.memory_space<hbm>> -> memref<1x160x128xf32, #tpu.memory_space<hbm>>
      %dma_start3A_48 = tpu.memref_squeeze %dma_start3A_47 : memref<1x160x128xf32, #tpu.memory_space<hbm>> -> memref<160x128xf32, #tpu.memory_space<hbm>>
      %dma_start3A_49 = arith.constant 0 : i32
      %dma_start3A_50 = tpu.memref_slice %arg5[%arg0, %add3A_44, %dma_start3A_49] : memref<2x10240x128xf32, #tpu.memory_space<hbm>> -> memref<1x160x128xf32, #tpu.memory_space<hbm>>
      %dma_start3A_51 = tpu.memref_squeeze %dma_start3A_50 : memref<1x160x128xf32, #tpu.memory_space<hbm>> -> memref<160x128xf32, #tpu.memory_space<hbm>>
      tpu.enqueue_dma source(%arg10 : memref<160x128xf32, #tpu.memory_space<vmem>>) target(%dma_start3A_51 : memref<160x128xf32, #tpu.memory_space<hbm>>) target_semaphore(%run_scoped3A : memref<!tpu.dma_semaphore, #tpu.memory_space<semaphore_mem>>)
      %dma_wait3A = arith.constant 0 : i32
      %dma_wait3A_52 = tpu.memref_slice %arg5[%arg0, %add3A_44, %dma_wait3A] : memref<2x10240x128xf32, #tpu.memory_space<hbm>> -> memref<1x160x128xf32, #tpu.memory_space<hbm>>
      %dma_wait3A_53 = tpu.memref_squeeze %dma_wait3A_52 : memref<1x160x128xf32, #tpu.memory_space<hbm>> -> memref<160x128xf32, #tpu.memory_space<hbm>>
      %dma_wait3A_54 = arith.constant 0 : i32
      %dma_wait3A_55 = tpu.memref_slice %arg5[%arg0, %add3A_44, %dma_wait3A_54] : memref<2x10240x128xf32, #tpu.memory_space<hbm>> -> memref<1x160x128xf32, #tpu.memory_space<hbm>>
      %dma_wait3A_56 = tpu.memref_squeeze %dma_wait3A_55 : memref<1x160x128xf32, #tpu.memory_space<hbm>> -> memref<160x128xf32, #tpu.memory_space<hbm>>
      tpu.wait_dma2 semaphore(%run_scoped3A : memref<!tpu.dma_semaphore, #tpu.memory_space<semaphore_mem>>) src(%arg10 : memref<160x128xf32, #tpu.memory_space<vmem>>) dst(%dma_wait3A_56 : memref<160x128xf32, #tpu.memory_space<hbm>>)
      tpu.yield
    }) : () -> ()
    %add3A_45 = arith.constant 480 : i32
    %add3A_46 = arith.addi %mul3A_0, %add3A_45 : i32
    "tpu.region"() ({
      %run_scoped3A = tpu.sem_alloc : memref<!tpu.dma_semaphore, #tpu.memory_space<semaphore_mem>>
      %dma_start3A = arith.constant 0 : i32
      %dma_start3A_47 = tpu.memref_slice %arg11[%add3A_46, %dma_start3A] : memref<10240x128xf32, #tpu.memory_space<vmem_shared>> -> memref<160x128xf32, #tpu.memory_space<vmem_shared>>
      %dma_start3A_48 = arith.constant 0 : i32
      %dma_start3A_49 = tpu.memref_slice %arg11[%add3A_46, %dma_start3A_48] : memref<10240x128xf32, #tpu.memory_space<vmem_shared>> -> memref<160x128xf32, #tpu.memory_space<vmem_shared>>
      tpu.enqueue_dma source(%dma_start3A_49 : memref<160x128xf32, #tpu.memory_space<vmem_shared>>) target(%arg10 : memref<160x128xf32, #tpu.memory_space<vmem>>) target_semaphore(%run_scoped3A : memref<!tpu.dma_semaphore, #tpu.memory_space<semaphore_mem>>)
      %dma_wait3A = arith.constant 0 : i32
      %dma_wait3A_50 = tpu.memref_slice %arg11[%add3A_46, %dma_wait3A] : memref<10240x128xf32, #tpu.memory_space<vmem_shared>> -> memref<160x128xf32, #tpu.memory_space<vmem_shared>>
      %dma_wait3A_51 = arith.constant 0 : i32
      %dma_wait3A_52 = tpu.memref_slice %arg11[%add3A_46, %dma_wait3A_51] : memref<10240x128xf32, #tpu.memory_space<vmem_shared>> -> memref<160x128xf32, #tpu.memory_space<vmem_shared>>
      tpu.wait_dma2 semaphore(%run_scoped3A : memref<!tpu.dma_semaphore, #tpu.memory_space<semaphore_mem>>) src(%dma_wait3A_52 : memref<160x128xf32, #tpu.memory_space<vmem_shared>>) dst(%arg10 : memref<160x128xf32, #tpu.memory_space<vmem>>)
      tpu.yield
    }) : () -> ()
    "tpu.region"() ({
      %run_scoped3A = tpu.sem_alloc : memref<!tpu.dma_semaphore, #tpu.memory_space<semaphore_mem>>
      %dma_start3A = arith.constant 0 : i32
      %dma_start3A_47 = tpu.memref_slice %arg5[%arg0, %add3A_46, %dma_start3A] : memref<2x10240x128xf32, #tpu.memory_space<hbm>> -> memref<1x160x128xf32, #tpu.memory_space<hbm>>
      %dma_start3A_48 = tpu.memref_squeeze %dma_start3A_47 : memref<1x160x128xf32, #tpu.memory_space<hbm>> -> memref<160x128xf32, #tpu.memory_space<hbm>>
      %dma_start3A_49 = arith.constant 0 : i32
      %dma_start3A_50 = tpu.memref_slice %arg5[%arg0, %add3A_46, %dma_start3A_49] : memref<2x10240x128xf32, #tpu.memory_space<hbm>> -> memref<1x160x128xf32, #tpu.memory_space<hbm>>
      %dma_start3A_51 = tpu.memref_squeeze %dma_start3A_50 : memref<1x160x128xf32, #tpu.memory_space<hbm>> -> memref<160x128xf32, #tpu.memory_space<hbm>>
      tpu.enqueue_dma source(%arg10 : memref<160x128xf32, #tpu.memory_space<vmem>>) target(%dma_start3A_51 : memref<160x128xf32, #tpu.memory_space<hbm>>) target_semaphore(%run_scoped3A : memref<!tpu.dma_semaphore, #tpu.memory_space<semaphore_mem>>)
      %dma_wait3A = arith.constant 0 : i32
      %dma_wait3A_52 = tpu.memref_slice %arg5[%arg0, %add3A_46, %dma_wait3A] : memref<2x10240x128xf32, #tpu.memory_space<hbm>> -> memref<1x160x128xf32, #tpu.memory_space<hbm>>
      %dma_wait3A_53 = tpu.memref_squeeze %dma_wait3A_52 : memref<1x160x128xf32, #tpu.memory_space<hbm>> -> memref<160x128xf32, #tpu.memory_space<hbm>>
      %dma_wait3A_54 = arith.constant 0 : i32
      %dma_wait3A_55 = tpu.memref_slice %arg5[%arg0, %add3A_46, %dma_wait3A_54] : memref<2x10240x128xf32, #tpu.memory_space<hbm>> -> memref<1x160x128xf32, #tpu.memory_space<hbm>>
      %dma_wait3A_56 = tpu.memref_squeeze %dma_wait3A_55 : memref<1x160x128xf32, #tpu.memory_space<hbm>> -> memref<160x128xf32, #tpu.memory_space<hbm>>
      tpu.wait_dma2 semaphore(%run_scoped3A : memref<!tpu.dma_semaphore, #tpu.memory_space<semaphore_mem>>) src(%arg10 : memref<160x128xf32, #tpu.memory_space<vmem>>) dst(%dma_wait3A_56 : memref<160x128xf32, #tpu.memory_space<hbm>>)
      tpu.yield
    }) : () -> ()
    "tpu.region"() ({
      %run_scoped3A = tpu.sem_alloc : memref<!tpu.dma_semaphore, #tpu.memory_space<semaphore_mem>>
      %dma_start3A = tpu.memref_slice %arg15[%mul3A_0] : memref<10240xf32, #tpu.memory_space<vmem_shared>> -> memref<640xf32, #tpu.memory_space<vmem_shared>>
      %dma_start3A_47 = tpu.memref_slice %arg15[%mul3A_0] : memref<10240xf32, #tpu.memory_space<vmem_shared>> -> memref<640xf32, #tpu.memory_space<vmem_shared>>
      tpu.enqueue_dma source(%dma_start3A_47 : memref<640xf32, #tpu.memory_space<vmem_shared>>) target(%arg14 : memref<640xf32, #tpu.memory_space<vmem>>) target_semaphore(%run_scoped3A : memref<!tpu.dma_semaphore, #tpu.memory_space<semaphore_mem>>)
      %dma_wait3A = tpu.memref_slice %arg15[%mul3A_0] : memref<10240xf32, #tpu.memory_space<vmem_shared>> -> memref<640xf32, #tpu.memory_space<vmem_shared>>
      %dma_wait3A_48 = tpu.memref_slice %arg15[%mul3A_0] : memref<10240xf32, #tpu.memory_space<vmem_shared>> -> memref<640xf32, #tpu.memory_space<vmem_shared>>
      tpu.wait_dma2 semaphore(%run_scoped3A : memref<!tpu.dma_semaphore, #tpu.memory_space<semaphore_mem>>) src(%dma_wait3A_48 : memref<640xf32, #tpu.memory_space<vmem_shared>>) dst(%arg14 : memref<640xf32, #tpu.memory_space<vmem>>)
      tpu.yield
    }) : () -> ()
    "tpu.region"() ({
      %run_scoped3A = tpu.sem_alloc : memref<!tpu.dma_semaphore, #tpu.memory_space<semaphore_mem>>
      %dma_start3A = tpu.memref_slice %arg6[%arg0, %mul3A_0] : memref<2x10240xf32, #tpu.memory_space<hbm>> -> memref<1x640xf32, #tpu.memory_space<hbm>>
      %dma_start3A_47 = tpu.memref_squeeze %dma_start3A : memref<1x640xf32, #tpu.memory_space<hbm>> -> memref<640xf32, #tpu.memory_space<hbm>>
      %dma_start3A_48 = tpu.memref_slice %arg6[%arg0, %mul3A_0] : memref<2x10240xf32, #tpu.memory_space<hbm>> -> memref<1x640xf32, #tpu.memory_space<hbm>>
      %dma_start3A_49 = tpu.memref_squeeze %dma_start3A_48 : memref<1x640xf32, #tpu.memory_space<hbm>> -> memref<640xf32, #tpu.memory_space<hbm>>
      tpu.enqueue_dma source(%arg14 : memref<640xf32, #tpu.memory_space<vmem>>) target(%dma_start3A_49 : memref<640xf32, #tpu.memory_space<hbm>>) target_semaphore(%run_scoped3A : memref<!tpu.dma_semaphore, #tpu.memory_space<semaphore_mem>>)
      %dma_wait3A = tpu.memref_slice %arg6[%arg0, %mul3A_0] : memref<2x10240xf32, #tpu.memory_space<hbm>> -> memref<1x640xf32, #tpu.memory_space<hbm>>
      %dma_wait3A_50 = tpu.memref_squeeze %dma_wait3A : memref<1x640xf32, #tpu.memory_space<hbm>> -> memref<640xf32, #tpu.memory_space<hbm>>
      %dma_wait3A_51 = tpu.memref_slice %arg6[%arg0, %mul3A_0] : memref<2x10240xf32, #tpu.memory_space<hbm>> -> memref<1x640xf32, #tpu.memory_space<hbm>>
      %dma_wait3A_52 = tpu.memref_squeeze %dma_wait3A_51 : memref<1x640xf32, #tpu.memory_space<hbm>> -> memref<640xf32, #tpu.memory_space<hbm>>
      tpu.wait_dma2 semaphore(%run_scoped3A : memref<!tpu.dma_semaphore, #tpu.memory_space<semaphore_mem>>) src(%arg14 : memref<640xf32, #tpu.memory_space<vmem>>) dst(%dma_wait3A_52 : memref<640xf32, #tpu.memory_space<hbm>>)
      tpu.yield
    }) : () -> ()
    return
  }
}

module attributes {stable_mosaic.version = 14 : i64} {
  func.func @body(%arg0: i32, %arg1: memref<400x128xf32, #tpu.memory_space<vmem>>, %arg2: memref<400x128xf32, #tpu.memory_space<vmem>>, %arg3: memref<400x128xf32, #tpu.memory_space<vmem>>, %arg4: memref<400x1xf32, #tpu.memory_space<vmem>>, %arg5: memref<400x1xf32, #tpu.memory_space<vmem>>, %arg6: memref<128x128xf32, #tpu.memory_space<vmem>>, %arg7: memref<1x128xf32, #tpu.memory_space<vmem>>, %arg8: memref<128x128xf32, #tpu.memory_space<vmem>>, %arg9: memref<128x128xf32, #tpu.memory_space<vmem>>, %arg10: memref<1x128xf32, #tpu.memory_space<vmem>>, %arg11: memref<400x128xf32, #tpu.memory_space<vmem>>) attributes {dimension_semantics = [#tpu.dimension_semantics<arbitrary>], iteration_bounds = array<i64: 25>, scalar_prefetch = 0 : i64, scratch_operands = 0 : i64, tpu.core_type = #tpu.core_type<tc>, window_params = [{transform_indices = @transform_0, window_bounds = array<i64: 400, 128>}, {transform_indices = @transform_1, window_bounds = array<i64: 400, 128>}, {transform_indices = @transform_2, window_bounds = array<i64: 400, 128>}, {transform_indices = @transform_3, window_bounds = array<i64: 400, 1>}, {transform_indices = @transform_4, window_bounds = array<i64: 400, 1>}, {pipeline_mode = #tpu.pipeline_mode<synchronous>, transform_indices = @transform_5, window_bounds = array<i64: 128, 128>}, {pipeline_mode = #tpu.pipeline_mode<synchronous>, transform_indices = @transform_6, window_bounds = array<i64: 1, 128>}, {pipeline_mode = #tpu.pipeline_mode<synchronous>, transform_indices = @transform_7, window_bounds = array<i64: 128, 128>}, {pipeline_mode = #tpu.pipeline_mode<synchronous>, transform_indices = @transform_8, window_bounds = array<i64: 128, 128>}, {pipeline_mode = #tpu.pipeline_mode<synchronous>, transform_indices = @transform_9, window_bounds = array<i64: 1, 128>}, {transform_indices = @transform_10, window_bounds = array<i64: 400, 128>}]} {
    %get3A = arith.constant 0 : index
    %get3A_0 = arith.constant 0 : index
    %get3A_1 = vector.load %arg2[%get3A, %get3A_0] : memref<400x128xf32, #tpu.memory_space<vmem>>, vector<400x128xf32>
    %get3A_2 = arith.constant 0 : index
    %get3A_3 = arith.constant 0 : index
    %get3A_4 = vector.load %arg4[%get3A_2, %get3A_3] : memref<400x1xf32, #tpu.memory_space<vmem>>, vector<400x1xf32>
    %max3A = arith.constant 1.000000e+00 : f32
    %max3A_5 = vector.broadcast %max3A : f32 to vector<400x1xf32>
    %max3A_6 = arith.maximumf %get3A_4, %max3A_5 : vector<400x1xf32>
    %div3A = vector.broadcast %max3A_6 : vector<400x1xf32> to vector<400x128xf32>
    %div3A_7 = arith.divf %get3A_1, %div3A : vector<400x128xf32>
    %get3A_8 = arith.constant 0 : index
    %get3A_9 = arith.constant 0 : index
    %get3A_10 = vector.load %arg3[%get3A_8, %get3A_9] : memref<400x128xf32, #tpu.memory_space<vmem>>, vector<400x128xf32>
    %get3A_11 = arith.constant 0 : index
    %get3A_12 = arith.constant 0 : index
    %get3A_13 = vector.load %arg5[%get3A_11, %get3A_12] : memref<400x1xf32, #tpu.memory_space<vmem>>, vector<400x1xf32>
    %max3A_14 = arith.constant 1.000000e+00 : f32
    %max3A_15 = vector.broadcast %max3A_14 : f32 to vector<400x1xf32>
    %max3A_16 = arith.maximumf %get3A_13, %max3A_15 : vector<400x1xf32>
    %div3A_17 = vector.broadcast %max3A_16 : vector<400x1xf32> to vector<400x128xf32>
    %div3A_18 = arith.divf %get3A_10, %div3A_17 : vector<400x128xf32>
    %add3A = arith.addf %div3A_7, %div3A_18 : vector<400x128xf32>
    %get3A_19 = arith.constant 0 : index
    %get3A_20 = arith.constant 0 : index
    %get3A_21 = vector.load %arg1[%get3A_19, %get3A_20] : memref<400x128xf32, #tpu.memory_space<vmem>>, vector<400x128xf32>
    %get3A_22 = arith.constant 0 : index
    %get3A_23 = arith.constant 0 : index
    %get3A_24 = vector.load %arg6[%get3A_22, %get3A_23] : memref<128x128xf32, #tpu.memory_space<vmem>>, vector<128x128xf32>
    %dot_general3A = arith.constant dense<0.000000e+00> : vector<400x128xf32>
    %dot_general3A_25 = tpu.matmul %get3A_21, %get3A_24, %dot_general3A {dimension_numbers = #tpu.dot_dimension_numbers<[1], [1], [0], [0], [0, 0, 1, 0], [], []>, transpose_lhs_hint = false} : vector<400x128xf32>, vector<128x128xf32>, vector<400x128xf32> -> vector<400x128xf32>
    %get3A_26 = arith.constant 0 : index
    %get3A_27 = arith.constant 0 : index
    %get3A_28 = vector.load %arg8[%get3A_26, %get3A_27] : memref<128x128xf32, #tpu.memory_space<vmem>>, vector<128x128xf32>
    %dot_general3A_29 = arith.constant dense<0.000000e+00> : vector<400x128xf32>
    %dot_general3A_30 = tpu.matmul %add3A, %get3A_28, %dot_general3A_29 {dimension_numbers = #tpu.dot_dimension_numbers<[1], [1], [0], [0], [0, 0, 1, 0], [], []>, transpose_lhs_hint = false} : vector<400x128xf32>, vector<128x128xf32>, vector<400x128xf32> -> vector<400x128xf32>
    %mul3A = arith.constant 2.000000e+00 : f32
    %mul3A_31 = vector.broadcast %mul3A : f32 to vector<400x128xf32>
    %mul3A_32 = arith.mulf %mul3A_31, %dot_general3A_25 : vector<400x128xf32>
    %get3A_33 = arith.constant 0 : index
    %get3A_34 = arith.constant 0 : index
    %get3A_35 = vector.load %arg7[%get3A_33, %get3A_34] : memref<1x128xf32, #tpu.memory_space<vmem>>, vector<1x128xf32>
    %mul3A_36 = arith.constant 2.000000e+00 : f32
    %mul3A_37 = vector.broadcast %mul3A_36 : f32 to vector<1x128xf32>
    %mul3A_38 = arith.mulf %mul3A_37, %get3A_35 : vector<1x128xf32>
    %add3A_39 = vector.broadcast %mul3A_38 : vector<1x128xf32> to vector<400x128xf32>
    %add3A_40 = arith.addf %mul3A_32, %add3A_39 : vector<400x128xf32>
    %add3A_41 = arith.addf %add3A_40, %dot_general3A_30 : vector<400x128xf32>
    %get3A_42 = arith.constant 0 : index
    %get3A_43 = arith.constant 0 : index
    %get3A_44 = vector.load %arg9[%get3A_42, %get3A_43] : memref<128x128xf32, #tpu.memory_space<vmem>>, vector<128x128xf32>
    %dot_general3A_45 = arith.constant dense<0.000000e+00> : vector<400x128xf32>
    %dot_general3A_46 = tpu.matmul %add3A_41, %get3A_44, %dot_general3A_45 {dimension_numbers = #tpu.dot_dimension_numbers<[1], [1], [0], [0], [0, 0, 1, 0], [], []>, transpose_lhs_hint = false} : vector<400x128xf32>, vector<128x128xf32>, vector<400x128xf32> -> vector<400x128xf32>
    %get3A_47 = arith.constant 0 : index
    %get3A_48 = arith.constant 0 : index
    %get3A_49 = vector.load %arg10[%get3A_47, %get3A_48] : memref<1x128xf32, #tpu.memory_space<vmem>>, vector<1x128xf32>
    %add3A_50 = vector.broadcast %get3A_49 : vector<1x128xf32> to vector<400x128xf32>
    %add3A_51 = arith.addf %dot_general3A_46, %add3A_50 : vector<400x128xf32>
    %max3A_52 = arith.constant 0.000000e+00 : f32
    %max3A_53 = vector.broadcast %max3A_52 : f32 to vector<400x128xf32>
    %max3A_54 = arith.maximumf %add3A_51, %max3A_53 : vector<400x128xf32>
    %swap3A = arith.constant 0 : index
    %swap3A_55 = arith.constant 0 : index
    %swap3A_56 = vector.load %arg11[%swap3A, %swap3A_55] : memref<400x128xf32, #tpu.memory_space<vmem>>, vector<400x128xf32>
    tpu.vector_store %arg11[%swap3A, %swap3A_55], %max3A_54 {strides = array<i32>} : memref<400x128xf32, #tpu.memory_space<vmem>>, vector<400x128xf32>,
    return
  }
  func.func @transform_0(%arg0: i32) -> (i32, i32) {
    %c0_i32 = arith.constant 0 : i32
    %c0_i32_0 = arith.constant 0 : i32
    return %arg0, %c0_i32 : i32, i32
  }
  func.func @transform_1(%arg0: i32) -> (i32, i32) {
    %c0_i32 = arith.constant 0 : i32
    %c0_i32_0 = arith.constant 0 : i32
    return %arg0, %c0_i32 : i32, i32
  }
  func.func @transform_2(%arg0: i32) -> (i32, i32) {
    %c0_i32 = arith.constant 0 : i32
    %c0_i32_0 = arith.constant 0 : i32
    return %arg0, %c0_i32 : i32, i32
  }
  func.func @transform_3(%arg0: i32) -> (i32, i32) {
    %c0_i32 = arith.constant 0 : i32
    %c0_i32_0 = arith.constant 0 : i32
    return %arg0, %c0_i32 : i32, i32
  }
  func.func @transform_4(%arg0: i32) -> (i32, i32) {
    %c0_i32 = arith.constant 0 : i32
    %c0_i32_0 = arith.constant 0 : i32
    return %arg0, %c0_i32 : i32, i32
  }
  func.func @transform_5(%arg0: i32) -> (i32, i32) {
    %c0_i32 = arith.constant 0 : i32
    %c0_i32_0 = arith.constant 0 : i32
    %c0_i32_1 = arith.constant 0 : i32
    return %c0_i32, %c0_i32_0 : i32, i32
  }
  func.func @transform_6(%arg0: i32) -> (i32, i32) {
    %c0_i32 = arith.constant 0 : i32
    %c0_i32_0 = arith.constant 0 : i32
    %c0_i32_1 = arith.constant 0 : i32
    return %c0_i32, %c0_i32_0 : i32, i32
  }
  func.func @transform_7(%arg0: i32) -> (i32, i32) {
    %c0_i32 = arith.constant 0 : i32
    %c0_i32_0 = arith.constant 0 : i32
    %c0_i32_1 = arith.constant 0 : i32
    return %c0_i32, %c0_i32_0 : i32, i32
  }
  func.func @transform_8(%arg0: i32) -> (i32, i32) {
    %c0_i32 = arith.constant 0 : i32
    %c0_i32_0 = arith.constant 0 : i32
    %c0_i32_1 = arith.constant 0 : i32
    return %c0_i32, %c0_i32_0 : i32, i32
  }
  func.func @transform_9(%arg0: i32) -> (i32, i32) {
    %c0_i32 = arith.constant 0 : i32
    %c0_i32_0 = arith.constant 0 : i32
    %c0_i32_1 = arith.constant 0 : i32
    return %c0_i32, %c0_i32_0 : i32, i32
  }
  func.func @transform_10(%arg0: i32) -> (i32, i32) {
    %c0_i32 = arith.constant 0 : i32
    %c0_i32_0 = arith.constant 0 : i32
    return %arg0, %c0_i32 : i32, i32
  }
}

module attributes {stable_mosaic.version = 14 : i64} {
  func.func @body(%arg0: i32, %arg1: memref<400x128xf32, #tpu.memory_space<vmem>>, %arg2: memref<400x128xf32, #tpu.memory_space<vmem>>, %arg3: memref<400x128xf32, #tpu.memory_space<vmem>>, %arg4: memref<400x1xf32, #tpu.memory_space<vmem>>, %arg5: memref<400x1xf32, #tpu.memory_space<vmem>>, %arg6: memref<128x128xf32, #tpu.memory_space<vmem>>, %arg7: memref<1x128xf32, #tpu.memory_space<vmem>>, %arg8: memref<128x128xf32, #tpu.memory_space<vmem>>, %arg9: memref<128x128xf32, #tpu.memory_space<vmem>>, %arg10: memref<1x128xf32, #tpu.memory_space<vmem>>, %arg11: memref<400x128xf32, #tpu.memory_space<vmem>>) attributes {dimension_semantics = [#tpu.dimension_semantics<arbitrary>], iteration_bounds = array<i64: 25>, scalar_prefetch = 0 : i64, scratch_operands = 0 : i64, tpu.core_type = #tpu.core_type<tc>, window_params = [{transform_indices = @transform_0, window_bounds = array<i64: 400, 128>}, {transform_indices = @transform_1, window_bounds = array<i64: 400, 128>}, {transform_indices = @transform_2, window_bounds = array<i64: 400, 128>}, {transform_indices = @transform_3, window_bounds = array<i64: 400, 1>}, {transform_indices = @transform_4, window_bounds = array<i64: 400, 1>}, {pipeline_mode = #tpu.pipeline_mode<synchronous>, transform_indices = @transform_5, window_bounds = array<i64: 128, 128>}, {pipeline_mode = #tpu.pipeline_mode<synchronous>, transform_indices = @transform_6, window_bounds = array<i64: 1, 128>}, {pipeline_mode = #tpu.pipeline_mode<synchronous>, transform_indices = @transform_7, window_bounds = array<i64: 128, 128>}, {pipeline_mode = #tpu.pipeline_mode<synchronous>, transform_indices = @transform_8, window_bounds = array<i64: 128, 128>}, {pipeline_mode = #tpu.pipeline_mode<synchronous>, transform_indices = @transform_9, window_bounds = array<i64: 1, 128>}, {transform_indices = @transform_10, window_bounds = array<i64: 400, 128>}]} {
    %get3A = arith.constant 0 : index
    %get3A_0 = arith.constant 0 : index
    %get3A_1 = vector.load %arg2[%get3A, %get3A_0] : memref<400x128xf32, #tpu.memory_space<vmem>>, vector<400x128xf32>
    %get3A_2 = arith.constant 0 : index
    %get3A_3 = arith.constant 0 : index
    %get3A_4 = vector.load %arg4[%get3A_2, %get3A_3] : memref<400x1xf32, #tpu.memory_space<vmem>>, vector<400x1xf32>
    %max3A = arith.constant 1.000000e+00 : f32
    %max3A_5 = vector.broadcast %max3A : f32 to vector<400x1xf32>
    %max3A_6 = arith.maximumf %get3A_4, %max3A_5 : vector<400x1xf32>
    %div3A = vector.broadcast %max3A_6 : vector<400x1xf32> to vector<400x128xf32>
    %div3A_7 = arith.divf %get3A_1, %div3A : vector<400x128xf32>
    %get3A_8 = arith.constant 0 : index
    %get3A_9 = arith.constant 0 : index
    %get3A_10 = vector.load %arg3[%get3A_8, %get3A_9] : memref<400x128xf32, #tpu.memory_space<vmem>>, vector<400x128xf32>
    %get3A_11 = arith.constant 0 : index
    %get3A_12 = arith.constant 0 : index
    %get3A_13 = vector.load %arg5[%get3A_11, %get3A_12] : memref<400x1xf32, #tpu.memory_space<vmem>>, vector<400x1xf32>
    %max3A_14 = arith.constant 1.000000e+00 : f32
    %max3A_15 = vector.broadcast %max3A_14 : f32 to vector<400x1xf32>
    %max3A_16 = arith.maximumf %get3A_13, %max3A_15 : vector<400x1xf32>
    %div3A_17 = vector.broadcast %max3A_16 : vector<400x1xf32> to vector<400x128xf32>
    %div3A_18 = arith.divf %get3A_10, %div3A_17 : vector<400x128xf32>
    %add3A = arith.addf %div3A_7, %div3A_18 : vector<400x128xf32>
    %get3A_19 = arith.constant 0 : index
    %get3A_20 = arith.constant 0 : index
    %get3A_21 = vector.load %arg1[%get3A_19, %get3A_20] : memref<400x128xf32, #tpu.memory_space<vmem>>, vector<400x128xf32>
    %get3A_22 = arith.constant 0 : index
    %get3A_23 = arith.constant 0 : index
    %get3A_24 = vector.load %arg6[%get3A_22, %get3A_23] : memref<128x128xf32, #tpu.memory_space<vmem>>, vector<128x128xf32>
    %dot_general3A = arith.constant dense<0.000000e+00> : vector<400x128xf32>
    %dot_general3A_25 = tpu.matmul %get3A_21, %get3A_24, %dot_general3A {dimension_numbers = #tpu.dot_dimension_numbers<[1], [1], [0], [0], [0, 0, 1, 0], [], []>, transpose_lhs_hint = false} : vector<400x128xf32>, vector<128x128xf32>, vector<400x128xf32> -> vector<400x128xf32>
    %get3A_26 = arith.constant 0 : index
    %get3A_27 = arith.constant 0 : index
    %get3A_28 = vector.load %arg8[%get3A_26, %get3A_27] : memref<128x128xf32, #tpu.memory_space<vmem>>, vector<128x128xf32>
    %dot_general3A_29 = arith.constant dense<0.000000e+00> : vector<400x128xf32>
    %dot_general3A_30 = tpu.matmul %add3A, %get3A_28, %dot_general3A_29 {dimension_numbers = #tpu.dot_dimension_numbers<[1], [1], [0], [0], [0, 0, 1, 0], [], []>, transpose_lhs_hint = false} : vector<400x128xf32>, vector<128x128xf32>, vector<400x128xf32> -> vector<400x128xf32>
    %mul3A = arith.constant 2.000000e+00 : f32
    %mul3A_31 = vector.broadcast %mul3A : f32 to vector<400x128xf32>
    %mul3A_32 = arith.mulf %mul3A_31, %dot_general3A_25 : vector<400x128xf32>
    %get3A_33 = arith.constant 0 : index
    %get3A_34 = arith.constant 0 : index
    %get3A_35 = vector.load %arg7[%get3A_33, %get3A_34] : memref<1x128xf32, #tpu.memory_space<vmem>>, vector<1x128xf32>
    %mul3A_36 = arith.constant 2.000000e+00 : f32
    %mul3A_37 = vector.broadcast %mul3A_36 : f32 to vector<1x128xf32>
    %mul3A_38 = arith.mulf %mul3A_37, %get3A_35 : vector<1x128xf32>
    %add3A_39 = vector.broadcast %mul3A_38 : vector<1x128xf32> to vector<400x128xf32>
    %add3A_40 = arith.addf %mul3A_32, %add3A_39 : vector<400x128xf32>
    %add3A_41 = arith.addf %add3A_40, %dot_general3A_30 : vector<400x128xf32>
    %get3A_42 = arith.constant 0 : index
    %get3A_43 = arith.constant 0 : index
    %get3A_44 = vector.load %arg9[%get3A_42, %get3A_43] : memref<128x128xf32, #tpu.memory_space<vmem>>, vector<128x128xf32>
    %dot_general3A_45 = arith.constant dense<0.000000e+00> : vector<400x128xf32>
    %dot_general3A_46 = tpu.matmul %add3A_41, %get3A_44, %dot_general3A_45 {dimension_numbers = #tpu.dot_dimension_numbers<[1], [1], [0], [0], [0, 0, 1, 0], [], []>, transpose_lhs_hint = false} : vector<400x128xf32>, vector<128x128xf32>, vector<400x128xf32> -> vector<400x128xf32>
    %get3A_47 = arith.constant 0 : index
    %get3A_48 = arith.constant 0 : index
    %get3A_49 = vector.load %arg10[%get3A_47, %get3A_48] : memref<1x128xf32, #tpu.memory_space<vmem>>, vector<1x128xf32>
    %add3A_50 = vector.broadcast %get3A_49 : vector<1x128xf32> to vector<400x128xf32>
    %add3A_51 = arith.addf %dot_general3A_46, %add3A_50 : vector<400x128xf32>
    %swap3A = arith.constant 0 : index
    %swap3A_52 = arith.constant 0 : index
    %swap3A_53 = vector.load %arg11[%swap3A, %swap3A_52] : memref<400x128xf32, #tpu.memory_space<vmem>>, vector<400x128xf32>
    tpu.vector_store %arg11[%swap3A, %swap3A_52], %add3A_51 {strides = array<i32>} : memref<400x128xf32, #tpu.memory_space<vmem>>, vector<400x128xf32>,
    return
  }
  func.func @transform_0(%arg0: i32) -> (i32, i32) {
    %c0_i32 = arith.constant 0 : i32
    %c0_i32_0 = arith.constant 0 : i32
    return %arg0, %c0_i32 : i32, i32
  }
  func.func @transform_1(%arg0: i32) -> (i32, i32) {
    %c0_i32 = arith.constant 0 : i32
    %c0_i32_0 = arith.constant 0 : i32
    return %arg0, %c0_i32 : i32, i32
  }
  func.func @transform_2(%arg0: i32) -> (i32, i32) {
    %c0_i32 = arith.constant 0 : i32
    %c0_i32_0 = arith.constant 0 : i32
    return %arg0, %c0_i32 : i32, i32
  }
  func.func @transform_3(%arg0: i32) -> (i32, i32) {
    %c0_i32 = arith.constant 0 : i32
    %c0_i32_0 = arith.constant 0 : i32
    return %arg0, %c0_i32 : i32, i32
  }
  func.func @transform_4(%arg0: i32) -> (i32, i32) {
    %c0_i32 = arith.constant 0 : i32
    %c0_i32_0 = arith.constant 0 : i32
    return %arg0, %c0_i32 : i32, i32
  }
  func.func @transform_5(%arg0: i32) -> (i32, i32) {
    %c0_i32 = arith.constant 0 : i32
    %c0_i32_0 = arith.constant 0 : i32
    %c0_i32_1 = arith.constant 0 : i32
    return %c0_i32, %c0_i32_0 : i32, i32
  }
  func.func @transform_6(%arg0: i32) -> (i32, i32) {
    %c0_i32 = arith.constant 0 : i32
    %c0_i32_0 = arith.constant 0 : i32
    %c0_i32_1 = arith.constant 0 : i32
    return %c0_i32, %c0_i32_0 : i32, i32
  }
  func.func @transform_7(%arg0: i32) -> (i32, i32) {
    %c0_i32 = arith.constant 0 : i32
    %c0_i32_0 = arith.constant 0 : i32
    %c0_i32_1 = arith.constant 0 : i32
    return %c0_i32, %c0_i32_0 : i32, i32
  }
  func.func @transform_8(%arg0: i32) -> (i32, i32) {
    %c0_i32 = arith.constant 0 : i32
    %c0_i32_0 = arith.constant 0 : i32
    %c0_i32_1 = arith.constant 0 : i32
    return %c0_i32, %c0_i32_0 : i32, i32
  }
  func.func @transform_9(%arg0: i32) -> (i32, i32) {
    %c0_i32 = arith.constant 0 : i32
    %c0_i32_0 = arith.constant 0 : i32
    %c0_i32_1 = arith.constant 0 : i32
    return %c0_i32, %c0_i32_0 : i32, i32
  }
  func.func @transform_10(%arg0: i32) -> (i32, i32) {
    %c0_i32 = arith.constant 0 : i32
    %c0_i32_0 = arith.constant 0 : i32
    return %arg0, %c0_i32 : i32, i32
  }
}

</mosaic_0001>

<sc_bundles>
// kernel: kernel.6.cloned.1.call-start
scs
__scs_entry_jumppad:
0x0: {  	(pc) =	sbr.rel $0x88, $3  }
0x1: {  	(tag) =	ssettag $0x0;
	lr =	simm.s32 $0x1  }
0x2: {  	[smem:$0x3F94] =	sst lr;
	_ =	strace $0xD0000000  }
0x3: {  	_ = 	snop  }
0x4: {  	_ = 	snop  }
0x5: {  	_ = 	snop  }
0x6: {  	_ = 	snop  }
0x7: {  	_ = 	snop  }
__scs_overlays_trampoline_lowered:
0x8: {  	[smem:$0x3FA3] =	sst s0  }
0x9: {  	[smem:$0x3FA4] =	sst s1  }
0xa: {  	[smem:$0x3FA5] =	sst s2  }
0xb: {  	[smem:$0x3FA6] =	sst s3  }
0xc: {  	[smem:$0x3FA7] =	sst s4  }
0xd: {  	[smem:$0x3FA8] =	sst s5  }
0xe: {  	[smem:$0x3FA9] =	sst s6  }
0xf: {  	[smem:$0x3FAA] =	sst s7  }
0x10: {  	[smem:$0x3FAB] =	sst s8  }
0x11: {  	[smem:$0x3FAC] =	sst s9;
	s0 =	simm.s32 @!p0 $0x0  }
0x12: {  	s1 =	sld [smem:$0x3F92];
	s0 =	simm.s32 @p0 $0x1  }
0x13: {  	[smem:$0x3FAD] =	sst s0;
	s0 =	simm.s32 @!p1 $0x0  }
0x14: {  	s2 =	sld [smem:$0x3F91];
	s0 =	simm.s32 @p1 $0x1  }
0x15: {  	[smem:$0x3FAE] =	sst s0;
	s0 =	simm.s32 @!p2 $0x0  }
0x16: {  	s3 =	sld [smem:$0x3FDB];
	s0 =	simm.s32 @p2 $0x1  }
0x17: {  	s4 =	simm.s32 $0x1BF5;
	[smem:$0x3FB0] =	sst s0  }
0x18: {  	s0 =	sld [smem:$0x3F93];
	_ =	swait.ge [sflag:s4], $0x0  }
0x19: {  	s7 =	sld [smem:$0x3F94]  }
0x1a: {  	s8 =	sadd.s32 $0xFFFFE003, lr  }
0x1b: {  	s9 =	sadd.s32 $0xFFFFFEF7, lr;
	s5 =	simm.s32 $0xFFFFFFFF;
	p2 =	slt.u32 s8, $0xFFFFF086  }
0x1c: {  	p1 =	slt.u32 s9, $0xF7A;
	s5 =	simm.s32 @!p2 $0x0  }
0x1d: {  	s5 =	simm.s32 @p1 $0x1;
	p0 =	seq.s32 s7, s2  }
0x1e: {  	s7 =	smul.u32 @!p0 $0xF7A, s2;
	p2 =	seq.s32 @!p0 s5, $0x0  }
0x1f: {  	s9 =	smul.u32 $0xF7A, s1;
	s8 =	simm.s32 @!p0 $0x1BF5;
	p2 =	por !p2, p0  }
0x20: {  	[sflag:s8] =	ssyncset.s32 @!p0 $0xFFFFF086;
	s6 =	sadd.s32 @!p0 s3, s7;
	s7 =	simm.s32 @!p0 $0x108  }
0x21: {  	s3 =	sadd.s32 s3, s9;
	s6 =	sadd.s32 @!p0 $0x88, s6;
	s7 =	simm.s32 @p2 $0x1082  }
0x22: {  	[simem:s7], [sflag:s8] =	dma.local @!p0 [hbm:s6], $0xF7A  }
0x23: {  	s9 =	sor.u32 $0xD0000000, s2;
	s6 =	simm.s32 $0x108;
	_ =	swait.ge @!p0 [sflag:s8], $0x0  }
0x24: {  	s3 =	sadd.s32 $0x88, s3;
	s6 =	simm.s32 @!p1 $0x1082;
	[sflag:s4] =	ssyncset.s32 $0xFFFFF086  }
0x25: {  	[simem:s6], [sflag:s4] =	dma.local [hbm:s3], $0xF7A  }
0x26: {  	[smem:$0x3F94] =	sst s1;
	(tag) =	ssettag s2;
	_ =	strace s9  }
0x27: {  	s1 =	sld [smem:$0x3FA4]  }
0x28: {  	s2 =	sld [smem:$0x3FA5]  }
0x29: {  	s4 =	sld [smem:$0x3FA7]  }
0x2a: {  	p0 =	seq.s32 s5, $0x0;
	s5 =	sld [smem:$0x3FA8]  }
0x2b: {  	s6 =	sld [smem:$0x3FA9]  }
0x2c: {  	s7 =	sld [smem:$0x3FAA]  }
0x2d: {  	s3 =	simm.s32 $0x108;
	s8 =	sld [smem:$0x3FAB]  }
0x2e: {  	s3 =	simm.s32 @!p0 $0x1082;
	s9 =	sld [smem:$0x3FAC]  }
0x2f: {  	lr =	sadd.s32 s0, s3;
	s0 =	sld [smem:$0x3FA3]  }
0x30: {  	s3 =	sld [smem:$0x3FA6]  }
0x31: {  	[smem:$0x3FAF] =	sst s10  }
0x32: {  	s10 =	sld [smem:$0x3FAD];
	_ =	sdelay $0x3  }
0x33: {  	p0 =	seq.s32 s10, $0x1;
	s10 =	sld [smem:$0x3FAF];
	_ =	sdelay $0x3  }
0x34: {  	[smem:$0x3FAF] =	sst s10  }
0x35: {  	s10 =	sld [smem:$0x3FAE];
	_ =	sdelay $0x3  }
0x36: {  	p1 =	seq.s32 s10, $0x1;
	s10 =	sld [smem:$0x3FAF];
	_ =	sdelay $0x3  }
0x37: {  	[smem:$0x3FAF] =	sst s10  }
0x38: {  	s10 =	sld [smem:$0x3FB0]  }
0x39: {  	_ = 	snop;
	(pc) =	sbr.ind lr, $3  }
0x3a: {  	_ = 	snop  }
0x3b: {  	_ = 	snop  }
0x3c: {  	p2 =	seq.s32 s10, $0x1;
	s10 =	sld [smem:$0x3FAF]  }
0x3d: {  	_ =	shalt  }
0x3e: {  	_ =	shalt  }
0x3f: {  	_ =	shalt  }
0x40: {  	_ =	shalt  }
0x41: {  	_ =	shalt  }
0x42: {  	_ =	shalt  }
0x43: {  	_ =	shalt  }
0x44: {  	_ =	shalt  }
0x45: {  	_ =	shalt  }
0x46: {  	_ =	shalt  }
0x47: {  	_ =	shalt  }
0x48: {  	_ =	shalt  }
0x49: {  	_ =	shalt  }
0x4a: {  	_ =	shalt  }
0x4b: {  	_ =	shalt  }
0x4c: {  	_ =	shalt  }
0x4d: {  	_ =	shalt  }
0x4e: {  	_ =	shalt  }
0x4f: {  	_ =	shalt  }
0x50: {  	_ =	shalt  }
0x51: {  	_ =	shalt  }
0x52: {  	_ =	shalt  }
0x53: {  	_ =	shalt  }
0x54: {  	_ =	shalt  }
0x55: {  	_ =	shalt  }
0x56: {  	_ =	shalt  }
0x57: {  	_ =	shalt  }
0x58: {  	_ =	shalt  }
0x59: {  	_ =	shalt  }
0x5a: {  	_ =	shalt  }
0x5b: {  	_ =	shalt  }
0x5c: {  	_ =	shalt  }
0x5d: {  	_ =	shalt  }
0x5e: {  	_ =	shalt  }
0x5f: {  	_ =	shalt  }
0x60: {  	_ =	shalt  }
0x61: {  	_ =	shalt  }
0x62: {  	_ =	shalt  }
0x63: {  	_ =	shalt  }
0x64: {  	_ =	shalt  }
0x65: {  	_ =	shalt  }
0x66: {  	_ =	shalt  }
0x67: {  	_ =	shalt  }
0x68: {  	_ =	shalt  }
0x69: {  	_ =	shalt  }
0x6a: {  	_ =	shalt  }
0x6b: {  	_ =	shalt  }
0x6c: {  	_ =	shalt  }
0x6d: {  	_ =	shalt  }
0x6e: {  	_ =	shalt  }
0x6f: {  	_ =	shalt  }
0x70: {  	_ =	shalt  }
0x71: {  	_ =	shalt  }
0x72: {  	_ =	shalt  }
0x73: {  	_ =	shalt  }
0x74: {  	_ =	shalt  }
0x75: {  	_ =	shalt  }
0x76: {  	_ =	shalt  }
0x77: {  	_ =	shalt  }
0x78: {  	_ =	shalt  }
0x79: {  	_ =	shalt  }
0x7a: {  	_ =	shalt  }
0x7b: {  	_ =	shalt  }
0x7c: {  	_ =	shalt  }
0x7d: {  	_ =	shalt  }
0x7e: {  	_ =	shalt  }
0x7f: {  	_ =	shalt  }
0x80: {  	_ =	shalt  }
0x81: {  	_ =	shalt  }
0x82: {  	_ =	shalt  }
0x83: {  	_ =	shalt  }
0x84: {  	_ =	shalt  }
0x85: {  	_ =	shalt  }
0x86: {  	_ =	shalt  }
0x87: {  	_ =	shalt  }
.Lfunc_end0:
.L_simem_size_0:
called_computation_lowered:
.L_overlay_start_0:
0x88: {  	s2 =	sld [smem:$0x3FD9]  }
0x89: {  	s3 =	sld [smem:$0x3FFE];
	_ =	sdelay $0x1  }
0x8a: {  	s1 =	srdreg.scid  }
0x8b: {  	s0 =	sand.u32 $0x1, s1  }
0x8c: {  	s17 =	sshll.u32 s0, $0xA;
	s2 =	sadd.s32 s3, s2  }
0x8d: {  	s2 =	sadd.s32 s2, s17  }
0x8e: {  	[smem:$0x3FBB] =	sst s2  }
0x8f: {  	_ = 	snop  }
0x90: {  	s2 =	sld [smem:$0x3FC9]  }
0x91: {  	s18 =	sld [smem:$0x3FD0];
	(tm) =	ssettm $0x1  }
0x92: {  	s4 =	sld [smem:$0x3FFB];
	_ =	sdelay $0x3  }
0x93: {  	_ =	strace s4  }
0x94: {  	s4 =	sld [smem:$0x3FFC];
	_ =	sdelay $0x3  }
0x95: {  	_ =	strace s4  }
0x96: {  	s4 =	sld [smem:$0x3FFD];
	_ =	sdelay $0x3  }
0x97: {  	_ =	strace s4  }
0x98: {  	_ =	strace $0x8FFFFFFF  }
0x99: {  	s19 =	sld [smem:$0x3FDB];
	_ =	sdelay $0x1  }
0x9a: {  	s5 =	simm.s32 $_scs_section_size  }
0x9b: {  	s6 =	simm.s32 $_size__tile_overlayer_lowered;
	s7 =	simm.s32 $_tile_overlayer_lowered  }
0x9c: {  	s22 =	simm.s32 $0x1BFF;
	s21 =	sshll.u32 s7, $0x1;
	s4 =	sadd.s32 s5, s19  }
0x9d: {  	s8 =	simm.s32 $0x0;
	s20 =	sshll.u32 s6, $0x1;
	s6 =	sadd.s32 s21, s4  }
0x9e: {  	[timem:s8], [sflag:s22] =	dma.local [hbm:s6], s20  }
0x9f: {  	_ =	swait.ge [sflag:s22], s20  }
0xa0: {  	s5 =	ssub.s32 $0x0, s20;
	[sflag:s22] =	ssyncset.done $0x0  }
0xa1: {  	[sflag:s22] =	ssyncadd.s32 s5;
	_ =	sdelay $0x1  }
0xa2: {  	s23 =	simm.s32 $0x1B8B  }
0xa3: {  	_ =	swait.ge [sflag:s23], $0x1  }
0xa4: {  	[sflag:s23] =	ssyncset.done $0x0  }
0xa5: {  	s25 =	simm.s32 $0x1B8E;
	s24 =	sld [smem:$0x3FFE];
	[sflag:s23] =	ssyncadd.s32 $0xFFFFFFFF  }
0xa6: {  	s26 =	simm.s32 $execute0_lowered;
	[smem:$0x3FD2] =	sst s25  }
0xa7: {  	s6 =	sshll.u32 s26, $0x1;
	_ =	strace $0x80000046;
	[dreg:$0x1] =	wrdreg $0xFFFFFFFF  }
0xa8: {  	s28 =	simm.s32 $_size_execute0_lowered;
	s4 =	sadd.s32 s4, s6;
	[dreg:$0x0] =	wrdreg $0x0  }
0xa9: {  	s6 =	sshll.u32 s28, $0x1;
	[dreg:$0x2] =	wrdreg s4  }
0xaa: {  	[dreg:$0x3] =	wrdreg s6  }
0xab: {  	[dreg:$0x4] =	wrdreg $0xC0  }
0xac: {  	_ =	task [dreg:s8], $0x5FFFF  }
0xad: {  	[dreg:$0x1] =	wrdreg $0xFFFFFFFF  }
0xae: {  	[dreg:$0x0] =	wrdreg $0x60  }
0xaf: {  	[dreg:$0x2] =	wrdreg s2  }
0xb0: {  	[dreg:$0x3] =	wrdreg s24  }
0xb1: {  	[dreg:$0x4] =	wrdreg s18  }
0xb2: {  	[dreg:$0x5] =	wrdreg $0x91000  }
0xb3: {  	[dreg:$0x6] =	wrdreg $0x1D4000  }
0xb4: {  	[dreg:$0x7] =	wrdreg $0x9  }
0xb5: {  	_ =	task.clear_ibuf [dreg:s8], $0x8FFFF;
	_ =	strace $0x90000046  }
0xb6: {  	s29 =	simm.s32 $0x9;
	_ =	strace $0x80000048  }
0xb7: {  	_ =	swait.ge [sflag:s29], $0x1  }
0xb8: {  	[sflag:s29] =	ssyncadd.s32 $0xFFFFFFFF  }
0xb9: {  	_ =	strace $0x90000048  }
0xba: {  	_ =	sfence  }
0xbb: {  	s30 =	sld [smem:$0x0];
	_ =	sdelay $0x2  }
0xbc: {  	s31 =	sshll.u32 s1, $0xD;
	s1 =	sshrl.u32 s1, $0x2  }
0xbd: {  	s3 =	sand.u32 $0x4000, s31;
	s1 =	sadd.s32 s1, s30  }
0xbe: {  	s0 =	sor.u32 s3, s0;
	s1 =	sshll.u32 s1, $0x11  }
0xbf: {  	s0 =	sor.u32 s1, s0  }
0xc0: {  	s0 =	sadd.s32 $0x8F2B, s0  }
0xc1: {  	[sflag:s0] =	ssyncadd.remote.s32 $0x1  }
0xc2: {  	_ =	sfence.sel $0xFFFF  }
0xc3: {  	[dreg:$0x0] =	wrdreg $0xFFFFFFFF;
	(pc) =	sbr.abs _section_cstart, $3  }
0xc4: {  	[dreg:$0x1] =	wrdreg $0xFFFFFFFF  }
0xc5: {  	_ =	task.clear_ibuf [dreg:s8], $0x2FFFF;
	_ =	strace $0x9FFFFFFF  }
0xc6: {  	(tm) =	ssettm $0x7FFFFFFF  }
0xc7: {  	_ =	shalt  }
tec
execute0_lowered:
.L_overlay_start_1:
0x0: {  	(tag) =	ssettag $0x1  }
0x1: {  	s1 =	rddreg [dreg:$0x0]  }
0x2: {  	s0 =	rddreg [dreg:$0x1]  }
0x3: {  	s3 =	rddreg [dreg:$0x2]  }
0x4: {  	s2 =	rddreg [dreg:$0x3]  }
0x5: {  	s4 =	rddreg [dreg:$0x4];
	s5 =	simm.s32 $0x0  }
0x6: {  	s24 =	stileid.u32;
	s7 =	srdreg.scid;
	s13 =	simm.s32 $0x9D  }
0x7: {  	s28 =	simm.s32 $0x1;
	s29 =	simm.s32 $0x1D100;
	s12 =	smul.u32 $0x280, s24  }
0x8: {  	s30 =	simm.s32 $0x0;
	[smem:$0x7FF] =	sst s5;
	s8 =	smul.u32 $0x50000, s24  }
0x9: {  	s6 =	sadd.s32 $0x4400, s0;
	s17 =	sand.u32 $0x1, s7;
	s15 =	smul.u32 $0x14000, s24  }
0xa: {  	s7 =	sadd.s32 $0x17E00, s0;
	s0 =	sadd.s32 $0x2B800, s0;
	s23 =	smul.u32 $0x500, s24  }
0xb: {  	s22 =	smin.u32 s24, $0x4;
	p0 =	slt.u32 s24, $0x4;
	s26 =	smul.u32 $0x4E00, s24  }
0xc: {  	s24 =	simm.s32 $0x1D180;
	_ =	strace $0x80000047;
	s9 =	ssub.s32 $0x2, s17  }
0xd: {  	s19 =	smul.u32 $0x140000, s17;
	s13 =	simm.s32 @!p0 $0x9C;
	s31 =	sshll.u32 s22, $0x7  }
0xe: {  	s22 =	simm.s32 $0x4100;
	s10 =	sshrl.u32 s9, $0x1;
	s8 =	sshrl.u32 s8, $0x2  }
0xf: {  	s11 =	sshll.u32 s12, $0x7;
	s12 =	sadd.s32 s12, s4;
	s20 =	ssub.s32 s9, s10  }
0x10: {  	s8 =	sadd.s32 s8, s2;
	s14 =	sadd.s32 $0x5000, s11;
	s18 =	sadd.s32 $0xA000, s11  }
0x11: {  	s21 =	sadd.s32 $0xF000, s11;
	s15 =	sadd.s32 s15, s19;
	s9 =	sadd.s32 s14, s2  }
0x12: {  	s10 =	sadd.s32 s18, s2;
	s11 =	sadd.s32 s21, s2;
	s15 =	sshrl.u32 s15, $0x3  }
0x13: {  	s16 =	sadd.s32 s19, s14;
	s14 =	smul.u32 $0x4E400, s17;
	s18 =	sadd.s32 s19, s18  }
0x14: {  	s19 =	sadd.s32 s19, s21;
	s20 =	smax.u32 s20, $0x1;
	s21 =	sadd.s32 s31, s26  }
0x15: {  	s26 =	simm.s32 $0x100;
	s15 =	sadd.s32 s0, s15;
	s16 =	sshrl.u32 s16, $0x3  }
0x16: {  	s18 =	sshrl.u32 s18, $0x3;
	[dreg:$0x6] =	wrdreg s15;
	s15 =	sshll.u32 s17, $0x7  }
0x17: {  	s19 =	sshrl.u32 s19, $0x3;
	s16 =	sadd.s32 s0, s16;
	s23 =	sor.u32 s15, s23  }
0x18: {  	s17 =	sadd.s32 s0, s18;
	s18 =	sadd.s32 s0, s19;
	s25 =	sshrl.u32 s23, $0x3  }
0x19: {  	v0 =	vimm.f32 $0.0e+00;
	v1 =	vimm.f32 $1.000000000e+00;
	s23 =	simm.s32 $0x2;
	s19 =	sadd.s32 s3, s25;
	s25 =	simm.s32 $0x80  }
.LBB2_1:
0x1a: {  	s0 =	sand.u32 $0x1FE00, s5  }
0x1b: {  	s3 =	sand.u32 $0x70, s5;
	s31 =	sshrl.u32 s0, $0x2  }
0x1c: {  	s0 =	simm.s32 $0x40;
	s31 =	sor.u32 s3, s31;
	s3 =	simm.s32 $0x0  }
.LBB2_2:
0x1d: {  	p0 =	sne.s32 s0, $0x13FC0  }
0x1e: {  	[tilespmem:s31+$0x4100] =	vst v0;
	s3 =	sadd.s32 $0x10, s3;
	s31 =	smov.u32 s0;
	s0 =	sadd.s32 $0x40, s0  }
.Ltmp0:
0x1f: {  	(pc) =	sbr.rel @p0 .LBB2_2-.Ltmp0, $4  }
0x20: {  	_ = 	snop  }
0x21: {  	s31 =	sand.u32 $0x1FE00, s31  }
0x22: {  	s15 =	sand.u32 $0x70, s3;
	s31 =	sshrl.u32 s31, $0x2  }
0x23: {  	s31 =	sor.u32 s15, s31  }
0x24: {  	[tilespmem:s31+$0x4100] =	vst v0  }
0x25: {  	[spmem:s8] =	stream.linear.scatter [tilespmem:s22], [sflag:$0x2], $0x5000, $0x38;
	[tilespmem:$0x1D680] =	vst v63  }
0x26: {  	_ =	swait.ge [sflag:s23], $0x5000  }
0x27: {  	[sflag:s23] =	ssyncset.done $0x0  }
0x28: {  	[sflag:s23] =	ssyncadd.s32 $0xFFFFB000  }
0x29: {  	[spmem:s9] =	stream.linear.scatter [tilespmem:s22], [sflag:$0x2], $0x5000, $0x38;
	[tilespmem:$0x1D680] =	vst v63  }
0x2a: {  	_ =	swait.ge [sflag:s23], $0x5000  }
0x2b: {  	[sflag:s23] =	ssyncset.done $0x0  }
0x2c: {  	[sflag:s23] =	ssyncadd.s32 $0xFFFFB000  }
0x2d: {  	[spmem:s10] =	stream.linear.scatter [tilespmem:s22], [sflag:$0x2], $0x5000, $0x38;
	[tilespmem:$0x1D680] =	vst v63  }
0x2e: {  	_ =	swait.ge [sflag:s23], $0x5000  }
0x2f: {  	[sflag:s23] =	ssyncset.done $0x0  }
0x30: {  	[sflag:s23] =	ssyncadd.s32 $0xFFFFB000  }
0x31: {  	[spmem:s11] =	stream.linear.scatter [tilespmem:s22], [sflag:$0x2], $0x5000, $0x38;
	[tilespmem:$0x1D680] =	vst v63  }
0x32: {  	_ =	swait.ge [sflag:s23], $0x5000  }
0x33: {  	[sflag:s23] =	ssyncset.done $0x0  }
0x34: {  	[sflag:s23] =	ssyncadd.s32 $0xFFFFB000  }
0x35: {  	[tilespmem:$0x1D180] =	vst v0  }
0x36: {  	[tilespmem:$0x1D190] =	vst v0  }
0x37: {  	[tilespmem:$0x1D1A0] =	vst v0  }
0x38: {  	[tilespmem:$0x1D1B0] =	vst v0  }
0x39: {  	[tilespmem:$0x1D1C0] =	vst v0  }
0x3a: {  	[tilespmem:$0x1D1D0] =	vst v0  }
0x3b: {  	[tilespmem:$0x1D1E0] =	vst v0  }
0x3c: {  	[tilespmem:$0x1D1F0] =	vst v0  }
0x3d: {  	[tilespmem:$0x1D200] =	vst v0  }
0x3e: {  	[tilespmem:$0x1D210] =	vst v0  }
0x3f: {  	[tilespmem:$0x1D220] =	vst v0  }
0x40: {  	[tilespmem:$0x1D230] =	vst v0  }
0x41: {  	[tilespmem:$0x1D240] =	vst v0  }
0x42: {  	[tilespmem:$0x1D250] =	vst v0  }
0x43: {  	[tilespmem:$0x1D260] =	vst v0  }
0x44: {  	[tilespmem:$0x1D270] =	vst v0  }
0x45: {  	[tilespmem:$0x1D280] =	vst v0  }
0x46: {  	[tilespmem:$0x1D290] =	vst v0  }
0x47: {  	[tilespmem:$0x1D2A0] =	vst v0  }
0x48: {  	[tilespmem:$0x1D2B0] =	vst v0  }
0x49: {  	[tilespmem:$0x1D2C0] =	vst v0  }
0x4a: {  	[tilespmem:$0x1D2D0] =	vst v0  }
0x4b: {  	[tilespmem:$0x1D2E0] =	vst v0  }
0x4c: {  	[tilespmem:$0x1D2F0] =	vst v0  }
0x4d: {  	[tilespmem:$0x1D300] =	vst v0  }
0x4e: {  	[tilespmem:$0x1D310] =	vst v0  }
0x4f: {  	[tilespmem:$0x1D320] =	vst v0  }
0x50: {  	[tilespmem:$0x1D330] =	vst v0  }
0x51: {  	[tilespmem:$0x1D340] =	vst v0  }
0x52: {  	[tilespmem:$0x1D350] =	vst v0  }
0x53: {  	[tilespmem:$0x1D360] =	vst v0  }
0x54: {  	[tilespmem:$0x1D370] =	vst v0  }
0x55: {  	[tilespmem:$0x1D380] =	vst v0  }
0x56: {  	[tilespmem:$0x1D390] =	vst v0  }
0x57: {  	[tilespmem:$0x1D3A0] =	vst v0  }
0x58: {  	[tilespmem:$0x1D3B0] =	vst v0  }
0x59: {  	[tilespmem:$0x1D3C0] =	vst v0  }
0x5a: {  	[tilespmem:$0x1D3D0] =	vst v0  }
0x5b: {  	[tilespmem:$0x1D3E0] =	vst v0  }
0x5c: {  	[tilespmem:$0x1D3F0] =	vst v0  }
0x5d: {  	[spmem:s12] =	stream.linear.scatter [tilespmem:s24], [sflag:$0x2], $0x280, $0x38;
	[tilespmem:$0x1D680] =	vst v63  }
0x5e: {  	_ =	swait.ge [sflag:s23], $0x280  }
0x5f: {  	[sflag:s23] =	ssyncset.done $0x0  }
0x60: {  	[sflag:s23] =	ssyncadd.s32 $0xFFFFFD80  }
0x61: {  	[tilespmem:$0x1D100] =	vst v1  }
0x62: {  	[tilespmem:$0x1D110] =	vst v1  }
0x63: {  	[tilespmem:$0x1D120] =	vst v1  }
0x64: {  	[tilespmem:$0x1D130] =	vst v1  }
0x65: {  	p1 =	sne.s32 s13, $0x1;
	[tilespmem:$0x1D140] =	vst v1  }
.Ltmp1:
0x66: {  	[tilespmem:$0x1D150] =	vst v1;
	(pc) =	sbr.rel @!p1 .LBB2_6-.Ltmp1, $4  }
0x67: {  	[tilespmem:$0x1D160] =	vst v1  }
0x68: {  	s0 =	sand.u32 $0xFFFFFC00, s21;
	[tilespmem:$0x1D170] =	vst v1  }
0x69: {  	s15 =	sand.u32 $0x380, s21;
	s3 =	sadd.s32 s14, s0;
	[bflag:$0x0] =	sbarrier.arrive $0xFFFF  }
0x6a: {  	p0 =	por $0x0, $0x0;
	s0 =	sadd.s32 $0xFFFFFFFF, s13;
	s3 =	sor.u32 s15, s3  }
0x6b: {  	s3 =	sshrl.u32 s3, $0x3  }
0x6c: {  	s15 =	sadd.s32 s6, s3  }
0x6d: {  	[tilespmem:s5], [sflag:$0x2] =	stream.linear.gather [hbm4b:s15+s5], $0x80, $0x38;
	[tilespmem:$0x1D680] =	vst v63  }
0x6e: {  	_ =	swait.ge [sflag:s23], $0x80  }
0x6f: {  	[sflag:s23] =	ssyncset.done $0x0  }
0x70: {  	s3 =	sadd.s32 s7, s3;
	[sflag:s23] =	ssyncadd.s32 $0xFFFFFF80  }
0x71: {  	[tilespmem:s25], [sflag:$0x2] =	stream.linear.gather [hbm4b:s3+s5], $0x80, $0x38;
	[tilespmem:$0x1D680] =	vst v63  }
0x72: {  	_ =	swait.ge [sflag:s23], $0x80  }
0x73: {  	[sflag:s23] =	ssyncset.done $0x0  }
0x74: {  	[sflag:s23] =	ssyncadd.s32 $0xFFFFFF80  }
0x75: {  	[tilespmem:s26], [sflag:$0x1] =	stream.indirect.gather [hbm4b:s1+s25], $0x80, s5, s25, $0xb8;
	[tilespmem:$0x1D680] =	vst v63  }
0x76: {  	_ =	swait.ge [sflag:s28], $0x4000  }
0x77: {  	[sflag:s28] =	ssyncset.done $0x0  }
0x78: {  	[sflag:s28] =	ssyncadd.s32 $0xFFFFC000  }
0x79: {  	[spmem:s2] =	stream.indirect.scatter.add.f32 [tilespmem:s26], [sflag:$0x2], $0x80, s25, s25, $0xb8;
	[tilespmem:$0x1D680] =	vst v63  }
0x7a: {  	p1 =	sne.s32 s0, $0x1;
	_ =	swait.ge [sflag:s23], $0x4000  }
.Ltmp2:
0x7b: {  	s31 =	sadd.s32 $0x80, s21;
	[sflag:s23] =	ssyncset.done $0x0;
	(pc) =	sbr.rel @!p1 .LBB2_6-.Ltmp2, $4  }
0x7c: {  	s0 =	sadd.s32 $0xFFFFFFFF, s0;
	s15 =	sand.u32 $0xFFFFFC00, s31;
	[sflag:s23] =	ssyncadd.s32 $0xFFFFC000  }
0x7d: {  	[spmem:s4] =	stream.indirect.scatter.add.f32 [tilespmem:s29], [sflag:$0x2], $0x1, s25, s25, $0xb8;
	[tilespmem:$0x1D680] =	vst v63  }
0x7e: {  	s3 =	sadd.s32 s14, s15;
	s15 =	sand.u32 $0x380, s31;
	_ =	swait.ge [sflag:s23], $0x80  }
0x7f: {  	p0 =	por $0x1, $0x1;
	s3 =	sor.u32 s15, s3;
	[sflag:s23] =	ssyncset.done $0x0  }
.LBB2_5:
0x80: {  	p1 =	sne.s32 s0, $0x1;
	s3 =	sshrl.u32 s3, $0x3;
	[sflag:s23] =	ssyncadd.s32 $0xFFFFFF80  }
0x81: {  	s0 =	sadd.s32 $0xFFFFFFFF, s0;
	s15 =	sadd.s32 s6, s3  }
0x82: {  	[tilespmem:s5], [sflag:$0x2] =	stream.linear.gather [hbm4b:s15+s5], $0x80, $0x38;
	[tilespmem:$0x1D680] =	vst v63  }
0x83: {  	_ =	swait.ge [sflag:s23], $0x80  }
0x84: {  	[sflag:s23] =	ssyncset.done $0x0  }
0x85: {  	s3 =	sadd.s32 s7, s3;
	[sflag:s23] =	ssyncadd.s32 $0xFFFFFF80  }
0x86: {  	[tilespmem:s25], [sflag:$0x2] =	stream.linear.gather [hbm4b:s3+s5], $0x80, $0x38;
	[tilespmem:$0x1D680] =	vst v63  }
0x87: {  	_ =	swait.ge [sflag:s23], $0x80  }
0x88: {  	[sflag:s23] =	ssyncset.done $0x0  }
0x89: {  	[sflag:s23] =	ssyncadd.s32 $0xFFFFFF80  }
0x8a: {  	[tilespmem:s26], [sflag:$0x1] =	stream.indirect.gather [hbm4b:s1+s25], $0x80, s5, s25, $0xb8;
	[tilespmem:$0x1D680] =	vst v63  }
0x8b: {  	_ =	swait.ge [sflag:s28], $0x4000  }
0x8c: {  	[sflag:s28] =	ssyncset.done $0x0  }
0x8d: {  	[sflag:s28] =	ssyncadd.s32 $0xFFFFC000  }
0x8e: {  	[spmem:s2] =	stream.indirect.scatter.add.f32 [tilespmem:s26], [sflag:$0x2], $0x80, s25, s25, $0xb8;
	[tilespmem:$0x1D680] =	vst v63  }
0x8f: {  	_ =	swait.ge [sflag:s23], $0x4000  }
.Ltmp3:
0x90: {  	s31 =	sadd.s32 $0x80, s31;
	[sflag:s23] =	ssyncset.done $0x0;
	(pc) =	sbr.rel @p1 .LBB2_5-.Ltmp3, $4  }
0x91: {  	s3 =	sand.u32 $0xFFFFFC00, s31;
	[sflag:s23] =	ssyncadd.s32 $0xFFFFC000  }
0x92: {  	[spmem:s4] =	stream.indirect.scatter.add.f32 [tilespmem:s29], [sflag:$0x2], $0x1, s25, s25, $0xb8;
	[tilespmem:$0x1D680] =	vst v63  }
0x93: {  	s15 =	sand.u32 $0x380, s31;
	s3 =	sadd.s32 s14, s3;
	_ =	swait.ge [sflag:s23], $0x80  }
0x94: {  	s3 =	sor.u32 s15, s3;
	[sflag:s23] =	ssyncset.done $0x0  }
.LBB2_6:
0x95: {  	s0 =	sshrl.u32 s3, $0x3  }
0x96: {  	[sflag:s23] =	ssyncadd.s32 @p0 $0xFFFFFF80;
	s3 =	sadd.s32 s6, s0  }
0x97: {  	[tilespmem:s5], [sflag:$0x2] =	stream.linear.gather [hbm4b:s3+s5], $0x80, $0x38;
	[tilespmem:$0x1D680] =	vst v63  }
0x98: {  	_ =	swait.ge [sflag:s23], $0x80  }
0x99: {  	[sflag:s23] =	ssyncset.done $0x0  }
0x9a: {  	s0 =	sadd.s32 s7, s0;
	[sflag:s23] =	ssyncadd.s32 $0xFFFFFF80  }
0x9b: {  	[tilespmem:s25], [sflag:$0x2] =	stream.linear.gather [hbm4b:s0+s5], $0x80, $0x38;
	[tilespmem:$0x1D680] =	vst v63  }
0x9c: {  	_ =	swait.ge [sflag:s23], $0x80  }
0x9d: {  	[sflag:s23] =	ssyncset.done $0x0  }
0x9e: {  	[sflag:s23] =	ssyncadd.s32 $0xFFFFFF80  }
0x9f: {  	[tilespmem:s26], [sflag:$0x1] =	stream.indirect.gather [hbm4b:s1+s25], $0x80, s5, s25, $0xb8;
	[tilespmem:$0x1D680] =	vst v63  }
0xa0: {  	_ =	swait.ge [sflag:s28], $0x4000  }
0xa1: {  	[sflag:s28] =	ssyncset.done $0x0  }
0xa2: {  	[sflag:s28] =	ssyncadd.s32 $0xFFFFC000  }
0xa3: {  	[spmem:s2] =	stream.indirect.scatter.add.f32 [tilespmem:s26], [sflag:$0x2], $0x80, s25, s25, $0xb8;
	[tilespmem:$0x1D680] =	vst v63  }
0xa4: {  	_ =	swait.ge [sflag:s23], $0x4000  }
0xa5: {  	[sflag:s23] =	ssyncset.done $0x0  }
0xa6: {  	[sflag:s23] =	ssyncadd.s32 $0xFFFFC000  }
0xa7: {  	[spmem:s4] =	stream.indirect.scatter.add.f32 [tilespmem:s29], [sflag:$0x2], $0x1, s25, s25, $0xb8;
	[tilespmem:$0x1D680] =	vst v63  }
0xa8: {  	_ =	swait.ge [sflag:s23], $0x80  }
0xa9: {  	[sflag:s23] =	ssyncset.done $0x0  }
0xaa: {  	[sflag:s23] =	ssyncadd.s32 $0xFFFFFF80  }
0xab: {  	[bflag:$0x0] =	sbarrier.arrive $0xFFFF  }
0xac: {  	[tilespmem:s22], [sflag:$0x2] =	stream.linear.gather [spmem:s8], $0x5000, $0x38;
	[tilespmem:$0x1D680] =	vst v63  }
0xad: {  	_ =	swait.ge [sflag:s23], $0x5000  }
0xae: {  	[sflag:s23] =	ssyncset.done $0x0  }
0xaf: {  	s31 =	rddreg [dreg:$0x6];
	[sflag:s23] =	ssyncadd.s32 $0xFFFFB000  }
0xb0: {  	[hbm4b:s31+s5] =	stream.linear.scatter [tilespmem:s22], [sflag:$0x2], $0x5000, $0x38;
	[tilespmem:$0x1D680] =	vst v63  }
0xb1: {  	_ =	swait.ge [sflag:s23], $0x5000  }
0xb2: {  	[sflag:s23] =	ssyncset.done $0x0  }
0xb3: {  	[sflag:s23] =	ssyncadd.s32 $0xFFFFB000  }
0xb4: {  	[tilespmem:s22], [sflag:$0x2] =	stream.linear.gather [spmem:s9], $0x5000, $0x38;
	[tilespmem:$0x1D680] =	vst v63  }
0xb5: {  	_ =	swait.ge [sflag:s23], $0x5000  }
0xb6: {  	[sflag:s23] =	ssyncset.done $0x0  }
0xb7: {  	[sflag:s23] =	ssyncadd.s32 $0xFFFFB000  }
0xb8: {  	[hbm4b:s16+s5] =	stream.linear.scatter [tilespmem:s22], [sflag:$0x2], $0x5000, $0x38;
	[tilespmem:$0x1D680] =	vst v63  }
0xb9: {  	_ =	swait.ge [sflag:s23], $0x5000  }
0xba: {  	[sflag:s23] =	ssyncset.done $0x0  }
0xbb: {  	[sflag:s23] =	ssyncadd.s32 $0xFFFFB000  }
0xbc: {  	[tilespmem:s22], [sflag:$0x2] =	stream.linear.gather [spmem:s10], $0x5000, $0x38;
	[tilespmem:$0x1D680] =	vst v63  }
0xbd: {  	_ =	swait.ge [sflag:s23], $0x5000  }
0xbe: {  	[sflag:s23] =	ssyncset.done $0x0  }
0xbf: {  	[sflag:s23] =	ssyncadd.s32 $0xFFFFB000  }
0xc0: {  	[hbm4b:s17+s5] =	stream.linear.scatter [tilespmem:s22], [sflag:$0x2], $0x5000, $0x38;
	[tilespmem:$0x1D680] =	vst v63  }
0xc1: {  	_ =	swait.ge [sflag:s23], $0x5000  }
0xc2: {  	[sflag:s23] =	ssyncset.done $0x0  }
0xc3: {  	[sflag:s23] =	ssyncadd.s32 $0xFFFFB000  }
0xc4: {  	[tilespmem:s22], [sflag:$0x2] =	stream.linear.gather [spmem:s11], $0x5000, $0x38;
	[tilespmem:$0x1D680] =	vst v63  }
0xc5: {  	_ =	swait.ge [sflag:s23], $0x5000  }
0xc6: {  	[sflag:s23] =	ssyncset.done $0x0  }
0xc7: {  	[sflag:s23] =	ssyncadd.s32 $0xFFFFB000  }
0xc8: {  	[hbm4b:s18+s5] =	stream.linear.scatter [tilespmem:s22], [sflag:$0x2], $0x5000, $0x38;
	[tilespmem:$0x1D680] =	vst v63  }
0xc9: {  	_ =	swait.ge [sflag:s23], $0x5000  }
0xca: {  	[sflag:s23] =	ssyncset.done $0x0  }
0xcb: {  	[sflag:s23] =	ssyncadd.s32 $0xFFFFB000  }
0xcc: {  	[tilespmem:s24], [sflag:$0x2] =	stream.linear.gather [spmem:s12], $0x280, $0x38;
	[tilespmem:$0x1D680] =	vst v63  }
0xcd: {  	s30 =	sadd.s32 $0x1, s30;
	_ =	swait.ge [sflag:s23], $0x280  }
0xce: {  	p0 =	sne.s32 s30, s20;
	[sflag:s23] =	ssyncset.done $0x0  }
.Ltmp4:
0xcf: {  	[sflag:s23] =	ssyncadd.s32 $0xFFFFFD80;
	(pc) =	sbr.rel @p0 .LBB2_1-.Ltmp4, $4  }
0xd0: {  	[hbm4b:s19+s25] =	stream.strided.scatter [tilespmem:s24], [sflag:$0x2], $0x280, s26, s25, $0x38;
	[tilespmem:$0x1D680] =	vst v63  }
0xd1: {  	_ =	swait.ge [sflag:s23], $0x280  }
0xd2: {  	[sflag:s23] =	ssyncset.done $0x0  }
0xd3: {  	[sflag:s23] =	ssyncadd.s32 $0xFFFFFD80  }
0xd4: {  	_ =	sfence.sel $0x180000  }
0xd5: {  	[bflag:$0x0] =	sbarrier.arrive $0xFFFF  }
0xd6: {  	_ =	strace $0x90000047  }
0xd7: {  	s0 =	stileid.u32;
	[bflag:$0x2] =	sbarrier.arrive $0xFFFF  }
0xd8: {  	p0 =	sne.s32 s0, $0x0;
	s0 =	rddreg [dreg:$0x5]  }
0xd9: {  	s0 =	sadd.s32 @!p0 $0x100000, s0  }
0xda: {  	[sflag:s0] =	ssyncadd.tile.s32 @!p0 $0x1;
	_ =	shalt  }
.Lfunc_end2:
_tile_overlayer_lowered:
.L_overlay_start_2:
0xdb: {  	(tag) =	ssettag $0x2  }
0xdc: {  	s0 =	rddreg [dreg:$0x0];
	s2 =	stileid.u32  }
0xdd: {  	s1 =	rddreg [dreg:$0x1];
	p0 =	sne.s32 s2, $0x0  }
0xde: {  	s3 =	rddreg [dreg:$0x2];
	[bflag:$0x3] =	sbarrier.arrive $0xFFFF;
	s2 =	simm.s32 @!p0 $0x1C02  }
0xdf: {  	[timem:s3], [sflag:s2] =	dma.local @!p0 [hbm:s0], s1  }
0xe0: {  	s0 =	simm.s32 @!p0 $0x2  }
0xe1: {  	_ =	swait.ge @!p0 [sflag:s0], s1  }
0xe2: {  	s1 =	ssub.s32 @!p0 $0x0, s1;
	[sflag:s0] =	ssyncset.done @!p0 $0x0  }
0xe3: {  	[sflag:s0] =	ssyncadd.s32 @!p0 s1  }
0xe4: {  	[bflag:$0x3] =	sbarrier.arrive $0xFFFF  }
0xe5: {  	_ =	shalt  }

// kernel: kernel.9.cloned.1.call-start
scs
__scs_entry_jumppad:
0x0: {  	(pc) =	sbr.rel $0x88, $3  }
0x1: {  	(tag) =	ssettag $0x0;
	lr =	simm.s32 $0x1  }
0x2: {  	[smem:$0x3F94] =	sst lr;
	_ =	strace $0xD0000000  }
0x3: {  	_ = 	snop  }
0x4: {  	_ = 	snop  }
0x5: {  	_ = 	snop  }
0x6: {  	_ = 	snop  }
0x7: {  	_ = 	snop  }
__scs_overlays_trampoline_lowered:
0x8: {  	[smem:$0x3FA3] =	sst s0  }
0x9: {  	[smem:$0x3FA4] =	sst s1  }
0xa: {  	[smem:$0x3FA5] =	sst s2  }
0xb: {  	[smem:$0x3FA6] =	sst s3  }
0xc: {  	[smem:$0x3FA7] =	sst s4  }
0xd: {  	[smem:$0x3FA8] =	sst s5  }
0xe: {  	[smem:$0x3FA9] =	sst s6  }
0xf: {  	[smem:$0x3FAA] =	sst s7  }
0x10: {  	[smem:$0x3FAB] =	sst s8  }
0x11: {  	[smem:$0x3FAC] =	sst s9;
	s0 =	simm.s32 @!p0 $0x0  }
0x12: {  	s1 =	sld [smem:$0x3F92];
	s0 =	simm.s32 @p0 $0x1  }
0x13: {  	[smem:$0x3FAD] =	sst s0;
	s0 =	simm.s32 @!p1 $0x0  }
0x14: {  	s2 =	sld [smem:$0x3F91];
	s0 =	simm.s32 @p1 $0x1  }
0x15: {  	[smem:$0x3FAE] =	sst s0;
	s0 =	simm.s32 @!p2 $0x0  }
0x16: {  	s3 =	sld [smem:$0x3FDB];
	s0 =	simm.s32 @p2 $0x1  }
0x17: {  	s4 =	simm.s32 $0x1BF5;
	[smem:$0x3FB0] =	sst s0  }
0x18: {  	s0 =	sld [smem:$0x3F93];
	_ =	swait.ge [sflag:s4], $0x0  }
0x19: {  	s7 =	sld [smem:$0x3F94]  }
0x1a: {  	s8 =	sadd.s32 $0xFFFFE003, lr  }
0x1b: {  	s9 =	sadd.s32 $0xFFFFFEF7, lr;
	s5 =	simm.s32 $0xFFFFFFFF;
	p2 =	slt.u32 s8, $0xFFFFF086  }
0x1c: {  	p1 =	slt.u32 s9, $0xF7A;
	s5 =	simm.s32 @!p2 $0x0  }
0x1d: {  	s5 =	simm.s32 @p1 $0x1;
	p0 =	seq.s32 s7, s2  }
0x1e: {  	s7 =	smul.u32 @!p0 $0xF7A, s2;
	p2 =	seq.s32 @!p0 s5, $0x0  }
0x1f: {  	s9 =	smul.u32 $0xF7A, s1;
	s8 =	simm.s32 @!p0 $0x1BF5;
	p2 =	por !p2, p0  }
0x20: {  	[sflag:s8] =	ssyncset.s32 @!p0 $0xFFFFF086;
	s6 =	sadd.s32 @!p0 s3, s7;
	s7 =	simm.s32 @!p0 $0x108  }
0x21: {  	s3 =	sadd.s32 s3, s9;
	s6 =	sadd.s32 @!p0 $0x88, s6;
	s7 =	simm.s32 @p2 $0x1082  }
0x22: {  	[simem:s7], [sflag:s8] =	dma.local @!p0 [hbm:s6], $0xF7A  }
0x23: {  	s9 =	sor.u32 $0xD0000000, s2;
	s6 =	simm.s32 $0x108;
	_ =	swait.ge @!p0 [sflag:s8], $0x0  }
0x24: {  	s3 =	sadd.s32 $0x88, s3;
	s6 =	simm.s32 @!p1 $0x1082;
	[sflag:s4] =	ssyncset.s32 $0xFFFFF086  }
0x25: {  	[simem:s6], [sflag:s4] =	dma.local [hbm:s3], $0xF7A  }
0x26: {  	[smem:$0x3F94] =	sst s1;
	(tag) =	ssettag s2;
	_ =	strace s9  }
0x27: {  	s1 =	sld [smem:$0x3FA4]  }
0x28: {  	s2 =	sld [smem:$0x3FA5]  }
0x29: {  	s4 =	sld [smem:$0x3FA7]  }
0x2a: {  	p0 =	seq.s32 s5, $0x0;
	s5 =	sld [smem:$0x3FA8]  }
0x2b: {  	s6 =	sld [smem:$0x3FA9]  }
0x2c: {  	s7 =	sld [smem:$0x3FAA]  }
0x2d: {  	s3 =	simm.s32 $0x108;
	s8 =	sld [smem:$0x3FAB]  }
0x2e: {  	s3 =	simm.s32 @!p0 $0x1082;
	s9 =	sld [smem:$0x3FAC]  }
0x2f: {  	lr =	sadd.s32 s0, s3;
	s0 =	sld [smem:$0x3FA3]  }
0x30: {  	s3 =	sld [smem:$0x3FA6]  }
0x31: {  	[smem:$0x3FAF] =	sst s10  }
0x32: {  	s10 =	sld [smem:$0x3FAD];
	_ =	sdelay $0x3  }
0x33: {  	p0 =	seq.s32 s10, $0x1;
	s10 =	sld [smem:$0x3FAF];
	_ =	sdelay $0x3  }
0x34: {  	[smem:$0x3FAF] =	sst s10  }
0x35: {  	s10 =	sld [smem:$0x3FAE];
	_ =	sdelay $0x3  }
0x36: {  	p1 =	seq.s32 s10, $0x1;
	s10 =	sld [smem:$0x3FAF];
	_ =	sdelay $0x3  }
0x37: {  	[smem:$0x3FAF] =	sst s10  }
0x38: {  	s10 =	sld [smem:$0x3FB0]  }
0x39: {  	_ = 	snop;
	(pc) =	sbr.ind lr, $3  }
0x3a: {  	_ = 	snop  }
0x3b: {  	_ = 	snop  }
0x3c: {  	p2 =	seq.s32 s10, $0x1;
	s10 =	sld [smem:$0x3FAF]  }
0x3d: {  	_ =	shalt  }
0x3e: {  	_ =	shalt  }
0x3f: {  	_ =	shalt  }
0x40: {  	_ =	shalt  }
0x41: {  	_ =	shalt  }
0x42: {  	_ =	shalt  }
0x43: {  	_ =	shalt  }
0x44: {  	_ =	shalt  }
0x45: {  	_ =	shalt  }
0x46: {  	_ =	shalt  }
0x47: {  	_ =	shalt  }
0x48: {  	_ =	shalt  }
0x49: {  	_ =	shalt  }
0x4a: {  	_ =	shalt  }
0x4b: {  	_ =	shalt  }
0x4c: {  	_ =	shalt  }
0x4d: {  	_ =	shalt  }
0x4e: {  	_ =	shalt  }
0x4f: {  	_ =	shalt  }
0x50: {  	_ =	shalt  }
0x51: {  	_ =	shalt  }
0x52: {  	_ =	shalt  }
0x53: {  	_ =	shalt  }
0x54: {  	_ =	shalt  }
0x55: {  	_ =	shalt  }
0x56: {  	_ =	shalt  }
0x57: {  	_ =	shalt  }
0x58: {  	_ =	shalt  }
0x59: {  	_ =	shalt  }
0x5a: {  	_ =	shalt  }
0x5b: {  	_ =	shalt  }
0x5c: {  	_ =	shalt  }
0x5d: {  	_ =	shalt  }
0x5e: {  	_ =	shalt  }
0x5f: {  	_ =	shalt  }
0x60: {  	_ =	shalt  }
0x61: {  	_ =	shalt  }
0x62: {  	_ =	shalt  }
0x63: {  	_ =	shalt  }
0x64: {  	_ =	shalt  }
0x65: {  	_ =	shalt  }
0x66: {  	_ =	shalt  }
0x67: {  	_ =	shalt  }
0x68: {  	_ =	shalt  }
0x69: {  	_ =	shalt  }
0x6a: {  	_ =	shalt  }
0x6b: {  	_ =	shalt  }
0x6c: {  	_ =	shalt  }
0x6d: {  	_ =	shalt  }
0x6e: {  	_ =	shalt  }
0x6f: {  	_ =	shalt  }
0x70: {  	_ =	shalt  }
0x71: {  	_ =	shalt  }
0x72: {  	_ =	shalt  }
0x73: {  	_ =	shalt  }
0x74: {  	_ =	shalt  }
0x75: {  	_ =	shalt  }
0x76: {  	_ =	shalt  }
0x77: {  	_ =	shalt  }
0x78: {  	_ =	shalt  }
0x79: {  	_ =	shalt  }
0x7a: {  	_ =	shalt  }
0x7b: {  	_ =	shalt  }
0x7c: {  	_ =	shalt  }
0x7d: {  	_ =	shalt  }
0x7e: {  	_ =	shalt  }
0x7f: {  	_ =	shalt  }
0x80: {  	_ =	shalt  }
0x81: {  	_ =	shalt  }
0x82: {  	_ =	shalt  }
0x83: {  	_ =	shalt  }
0x84: {  	_ =	shalt  }
0x85: {  	_ =	shalt  }
0x86: {  	_ =	shalt  }
0x87: {  	_ =	shalt  }
.Lfunc_end0:
.L_simem_size_0:
called_computation.1_lowered:
.L_overlay_start_0:
0x88: {  	s2 =	sld [smem:$0x3FD9]  }
0x89: {  	s3 =	sld [smem:$0x3FFE];
	_ =	sdelay $0x1  }
0x8a: {  	s1 =	srdreg.scid  }
0x8b: {  	s0 =	sand.u32 $0x1, s1  }
0x8c: {  	s16 =	sshll.u32 s0, $0xA;
	s2 =	sadd.s32 s3, s2  }
0x8d: {  	s2 =	sadd.s32 s2, s16  }
0x8e: {  	[smem:$0x3FBB] =	sst s2  }
0x8f: {  	_ = 	snop  }
0x90: {  	(tm) =	ssettm $0x1  }
0x91: {  	s17 =	sld [smem:$0x3FFB];
	_ =	sdelay $0x3  }
0x92: {  	_ =	strace s17  }
0x93: {  	s2 =	sld [smem:$0x3FFC];
	_ =	sdelay $0x3  }
0x94: {  	_ =	strace s2  }
0x95: {  	s2 =	sld [smem:$0x3FFD];
	_ =	sdelay $0x3  }
0x96: {  	_ =	strace s2  }
0x97: {  	_ =	strace $0x8FFFFFFF  }
0x98: {  	s18 =	sld [smem:$0x3FDB];
	_ =	sdelay $0x1  }
0x99: {  	s19 =	simm.s32 $_scs_section_size  }
0x9a: {  	s4 =	simm.s32 $_size__tile_overlayer_lowered;
	s5 =	simm.s32 $_tile_overlayer_lowered  }
0x9b: {  	s22 =	simm.s32 $0x1BFF;
	s21 =	sshll.u32 s5, $0x1;
	s2 =	sadd.s32 s19, s18  }
0x9c: {  	s6 =	simm.s32 $0x0;
	s20 =	sshll.u32 s4, $0x1;
	s4 =	sadd.s32 s21, s2  }
0x9d: {  	[timem:s6], [sflag:s22] =	dma.local [hbm:s4], s20  }
0x9e: {  	_ =	swait.ge [sflag:s22], s20  }
0x9f: {  	s3 =	ssub.s32 $0x0, s20;
	[sflag:s22] =	ssyncset.done $0x0  }
0xa0: {  	[sflag:s22] =	ssyncadd.s32 s3;
	_ =	sdelay $0x1  }
0xa1: {  	s23 =	simm.s32 $0x1B8B  }
0xa2: {  	_ =	swait.ge [sflag:s23], $0x1  }
0xa3: {  	[sflag:s23] =	ssyncset.done $0x0  }
0xa4: {  	s25 =	simm.s32 $0x1B8E;
	s24 =	sld [smem:$0x3FFE];
	[sflag:s23] =	ssyncadd.s32 $0xFFFFFFFF  }
0xa5: {  	s26 =	simm.s32 $execute0_lowered;
	[smem:$0x3FD2] =	sst s25  }
0xa6: {  	s4 =	sshll.u32 s26, $0x1;
	_ =	strace $0x80000049;
	[dreg:$0x1] =	wrdreg $0xFFFFFFFF  }
0xa7: {  	s28 =	simm.s32 $_size_execute0_lowered;
	s2 =	sadd.s32 s2, s4;
	[dreg:$0x0] =	wrdreg $0x0  }
0xa8: {  	s4 =	sshll.u32 s28, $0x1;
	[dreg:$0x2] =	wrdreg s2  }
0xa9: {  	[dreg:$0x3] =	wrdreg s4  }
0xaa: {  	[dreg:$0x4] =	wrdreg $0xC0  }
0xab: {  	_ =	task [dreg:s6], $0x5FFFF  }
0xac: {  	[dreg:$0x1] =	wrdreg $0xFFFFFFFF  }
0xad: {  	[dreg:$0x0] =	wrdreg $0x60  }
0xae: {  	[dreg:$0x2] =	wrdreg s24  }
0xaf: {  	[dreg:$0x3] =	wrdreg $0x91000  }
0xb0: {  	[dreg:$0x4] =	wrdreg $0x9  }
0xb1: {  	_ =	task.clear_ibuf [dreg:s6], $0x5FFFF;
	_ =	strace $0x90000049  }
0xb2: {  	s29 =	simm.s32 $0x9;
	_ =	strace $0x8000004B  }
0xb3: {  	_ =	swait.ge [sflag:s29], $0x1  }
0xb4: {  	[sflag:s29] =	ssyncadd.s32 $0xFFFFFFFF  }
0xb5: {  	_ =	strace $0x9000004B  }
0xb6: {  	_ =	sfence  }
0xb7: {  	s30 =	sld [smem:$0x0];
	_ =	sdelay $0x2  }
0xb8: {  	s31 =	sshll.u32 s1, $0xD;
	s1 =	sshrl.u32 s1, $0x2  }
0xb9: {  	s3 =	sand.u32 $0x4000, s31;
	s1 =	sadd.s32 s1, s30  }
0xba: {  	s0 =	sor.u32 s3, s0;
	s1 =	sshll.u32 s1, $0x11  }
0xbb: {  	s0 =	sor.u32 s1, s0  }
0xbc: {  	s0 =	sadd.s32 $0x8F2B, s0  }
0xbd: {  	[sflag:s0] =	ssyncadd.remote.s32 $0x1  }
0xbe: {  	_ =	sfence.sel $0xFFFF  }
0xbf: {  	[dreg:$0x0] =	wrdreg $0xFFFFFFFF;
	(pc) =	sbr.abs _section_cstart, $3  }
0xc0: {  	[dreg:$0x1] =	wrdreg $0xFFFFFFFF  }
0xc1: {  	_ =	task.clear_ibuf [dreg:s6], $0x2FFFF;
	_ =	strace $0x9FFFFFFF  }
0xc2: {  	(tm) =	ssettm $0x7FFFFFFF  }
0xc3: {  	_ =	shalt  }
tec
execute0_lowered:
.L_overlay_start_1:
0x0: {  	(tag) =	ssettag $0x1  }
0x1: {  	s7 =	rddreg [dreg:$0x0]  }
0x2: {  	s1 =	rddreg [dreg:$0x1]  }
0x3: {  	s0 =	rddreg [dreg:$0x2]  }
0x4: {  	s2 =	simm.s32 $0x0;
	s6 =	srdreg.scid;
	s3 =	stileid.u32  }
0x5: {  	s11 =	simm.s32 $0x9D;
	s21 =	simm.s32 $0x80;
	s22 =	simm.s32 $0x100  }
0x6: {  	s23 =	simm.s32 $0x1;
	s24 =	simm.s32 $0x0;
	[smem:$0x7FF] =	sst s2  }
0x7: {  	s4 =	sadd.s32 $0x52A00, s7;
	s5 =	sadd.s32 $0x4400, s7;
	s8 =	smul.u32 $0x50000, s3  }
0x8: {  	s12 =	sand.u32 $0x1, s6;
	s6 =	sadd.s32 $0x17E00, s7;
	s13 =	smul.u32 $0x14000, s3  }
0x9: {  	s16 =	sadd.s32 $0x79C00, s7;
	s20 =	smin.u32 s3, $0x4;
	s31 =	smul.u32 $0x4E00, s3  }
0xa: {  	p0 =	slt.u32 s3, $0x4;
	_ =	strace $0x8000004A;
	s19 =	smul.u32 $0x140000, s12  }
0xb: {  	s9 =	ssub.s32 $0x2, s12;
	s11 =	simm.s32 @!p0 $0x9C;
	s12 =	smul.u32 $0x4E400, s12  }
0xc: {  	s20 =	sshll.u32 s20, $0x7;
	s30 =	sshrl.u32 s9, $0x1;
	s8 =	sshrl.u32 s8, $0x2  }
0xd: {  	s14 =	sadd.s32 $0x5000, s13;
	s15 =	sadd.s32 $0xA000, s13;
	s18 =	sadd.s32 $0xF000, s13  }
0xe: {  	s17 =	ssub.s32 s9, s30;
	s7 =	sadd.s32 s8, s1;
	s8 =	sadd.s32 s14, s1  }
0xf: {  	s9 =	sadd.s32 s15, s1;
	s10 =	sadd.s32 s18, s1;
	s13 =	sadd.s32 s13, s19  }
0x10: {  	s14 =	sadd.s32 s19, s14;
	s15 =	sadd.s32 s19, s15;
	s18 =	sadd.s32 s19, s18  }
0x11: {  	s19 =	simm.s32 $0x4100;
	s13 =	sshrl.u32 s13, $0x3;
	s14 =	sshrl.u32 s14, $0x3  }
0x12: {  	s15 =	sshrl.u32 s15, $0x3;
	s18 =	sshrl.u32 s18, $0x3;
	s17 =	smax.u32 s17, $0x1  }
0x13: {  	s13 =	sadd.s32 s16, s13;
	s14 =	sadd.s32 s16, s14;
	s15 =	sadd.s32 s16, s15  }
0x14: {  	v0 =	vimm.f32 $0.0e+00;
	s16 =	sadd.s32 s16, s18;
	s18 =	sadd.s32 s20, s31;
	s20 =	simm.s32 $0x2  }
.LBB2_1:
0x15: {  	s25 =	sand.u32 $0x1FE00, s2  }
0x16: {  	s26 =	sand.u32 $0x70, s2;
	s28 =	sshrl.u32 s25, $0x2  }
0x17: {  	s25 =	simm.s32 $0x40;
	s28 =	sor.u32 s26, s28;
	s26 =	simm.s32 $0x0  }
.LBB2_2:
0x18: {  	p0 =	sne.s32 s25, $0x13FC0  }
0x19: {  	[tilespmem:s28+$0x4100] =	vst v0;
	s26 =	sadd.s32 $0x10, s26;
	s28 =	smov.u32 s25;
	s25 =	sadd.s32 $0x40, s25  }
.Ltmp0:
0x1a: {  	(pc) =	sbr.rel @p0 .LBB2_2-.Ltmp0, $4  }
0x1b: {  	_ = 	snop  }
0x1c: {  	s28 =	sand.u32 $0x1FE00, s28  }
0x1d: {  	s29 =	sand.u32 $0x70, s26;
	s28 =	sshrl.u32 s28, $0x2  }
0x1e: {  	s28 =	sor.u32 s29, s28  }
0x1f: {  	[tilespmem:s28+$0x4100] =	vst v0  }
0x20: {  	[spmem:s7] =	stream.linear.scatter [tilespmem:s19], [sflag:$0x2], $0x5000, $0x38;
	[tilespmem:$0x1D100] =	vst v63  }
0x21: {  	_ =	swait.ge [sflag:s20], $0x5000  }
0x22: {  	[sflag:s20] =	ssyncset.done $0x0  }
0x23: {  	[sflag:s20] =	ssyncadd.s32 $0xFFFFB000  }
0x24: {  	[spmem:s8] =	stream.linear.scatter [tilespmem:s19], [sflag:$0x2], $0x5000, $0x38;
	[tilespmem:$0x1D100] =	vst v63  }
0x25: {  	_ =	swait.ge [sflag:s20], $0x5000  }
0x26: {  	[sflag:s20] =	ssyncset.done $0x0  }
0x27: {  	[sflag:s20] =	ssyncadd.s32 $0xFFFFB000  }
0x28: {  	[spmem:s9] =	stream.linear.scatter [tilespmem:s19], [sflag:$0x2], $0x5000, $0x38;
	[tilespmem:$0x1D100] =	vst v63  }
0x29: {  	_ =	swait.ge [sflag:s20], $0x5000  }
0x2a: {  	[sflag:s20] =	ssyncset.done $0x0  }
0x2b: {  	p1 =	sne.s32 s11, $0x1;
	[sflag:s20] =	ssyncadd.s32 $0xFFFFB000  }
0x2c: {  	[spmem:s10] =	stream.linear.scatter [tilespmem:s19], [sflag:$0x2], $0x5000, $0x38;
	[tilespmem:$0x1D100] =	vst v63  }
.Ltmp1:
0x2d: {  	_ =	swait.ge [sflag:s20], $0x5000;
	(pc) =	sbr.rel @!p1 .LBB2_6-.Ltmp1, $4  }
0x2e: {  	[sflag:s20] =	ssyncset.done $0x0  }
0x2f: {  	s25 =	sand.u32 $0xFFFFFC00, s18;
	[sflag:s20] =	ssyncadd.s32 $0xFFFFB000  }
0x30: {  	s28 =	sand.u32 $0x380, s18;
	s25 =	sadd.s32 s12, s25;
	[bflag:$0x0] =	sbarrier.arrive $0xFFFF  }
0x31: {  	s26 =	sadd.s32 $0xFFFFFFFF, s11;
	p0 =	por $0x0, $0x0;
	s28 =	sor.u32 s28, s25  }
0x32: {  	s25 =	sshrl.u32 s28, $0x3  }
0x33: {  	s28 =	sadd.s32 s5, s25  }
0x34: {  	[tilespmem:s2], [sflag:$0x2] =	stream.linear.gather [hbm4b:s28+s2], $0x80, $0x38;
	[tilespmem:$0x1D100] =	vst v63  }
0x35: {  	_ =	swait.ge [sflag:s20], $0x80  }
0x36: {  	[sflag:s20] =	ssyncset.done $0x0  }
0x37: {  	s25 =	sadd.s32 s6, s25;
	[sflag:s20] =	ssyncadd.s32 $0xFFFFFF80  }
0x38: {  	[tilespmem:s21], [sflag:$0x2] =	stream.linear.gather [hbm4b:s25+s2], $0x80, $0x38;
	[tilespmem:$0x1D100] =	vst v63  }
0x39: {  	_ =	swait.ge [sflag:s20], $0x80  }
0x3a: {  	[sflag:s20] =	ssyncset.done $0x0  }
0x3b: {  	[sflag:s20] =	ssyncadd.s32 $0xFFFFFF80  }
0x3c: {  	[tilespmem:s22], [sflag:$0x1] =	stream.indirect.gather [hbm4b:s4+s21], $0x80, s2, s21, $0xb8;
	[tilespmem:$0x1D100] =	vst v63  }
0x3d: {  	p1 =	sne.s32 s26, $0x1;
	_ =	swait.ge [sflag:s23], $0x4000  }
.Ltmp2:
0x3e: {  	s25 =	sadd.s32 $0x80, s18;
	[sflag:s23] =	ssyncset.done $0x0;
	(pc) =	sbr.rel @!p1 .LBB2_6-.Ltmp2, $4  }
0x3f: {  	s26 =	sadd.s32 $0xFFFFFFFF, s26;
	s28 =	sand.u32 $0xFFFFFC00, s25;
	[sflag:s23] =	ssyncadd.s32 $0xFFFFC000  }
0x40: {  	[spmem:s1] =	stream.indirect.scatter.add.f32 [tilespmem:s22], [sflag:$0x2], $0x80, s21, s21, $0xb8;
	[tilespmem:$0x1D100] =	vst v63  }
0x41: {  	s29 =	sand.u32 $0x380, s25;
	s28 =	sadd.s32 s12, s28;
	_ =	swait.ge [sflag:s20], $0x4000  }
0x42: {  	p0 =	por $0x1, $0x1;
	s28 =	sor.u32 s29, s28;
	[sflag:s20] =	ssyncset.done $0x0  }
.LBB2_5:
0x43: {  	p1 =	sne.s32 s26, $0x1;
	s28 =	sshrl.u32 s28, $0x3;
	[sflag:s20] =	ssyncadd.s32 $0xFFFFC000  }
0x44: {  	s26 =	sadd.s32 $0xFFFFFFFF, s26;
	s29 =	sadd.s32 s5, s28  }
0x45: {  	[tilespmem:s2], [sflag:$0x2] =	stream.linear.gather [hbm4b:s29+s2], $0x80, $0x38;
	[tilespmem:$0x1D100] =	vst v63  }
0x46: {  	_ =	swait.ge [sflag:s20], $0x80  }
0x47: {  	[sflag:s20] =	ssyncset.done $0x0  }
0x48: {  	s28 =	sadd.s32 s6, s28;
	[sflag:s20] =	ssyncadd.s32 $0xFFFFFF80  }
0x49: {  	[tilespmem:s21], [sflag:$0x2] =	stream.linear.gather [hbm4b:s28+s2], $0x80, $0x38;
	[tilespmem:$0x1D100] =	vst v63  }
0x4a: {  	_ =	swait.ge [sflag:s20], $0x80  }
0x4b: {  	[sflag:s20] =	ssyncset.done $0x0  }
0x4c: {  	[sflag:s20] =	ssyncadd.s32 $0xFFFFFF80  }
0x4d: {  	[tilespmem:s22], [sflag:$0x1] =	stream.indirect.gather [hbm4b:s4+s21], $0x80, s2, s21, $0xb8;
	[tilespmem:$0x1D100] =	vst v63  }
0x4e: {  	_ =	swait.ge [sflag:s23], $0x4000  }
.Ltmp3:
0x4f: {  	s25 =	sadd.s32 $0x80, s25;
	[sflag:s23] =	ssyncset.done $0x0;
	(pc) =	sbr.rel @p1 .LBB2_5-.Ltmp3, $4  }
0x50: {  	s28 =	sand.u32 $0xFFFFFC00, s25;
	[sflag:s23] =	ssyncadd.s32 $0xFFFFC000  }
0x51: {  	[spmem:s1] =	stream.indirect.scatter.add.f32 [tilespmem:s22], [sflag:$0x2], $0x80, s21, s21, $0xb8;
	[tilespmem:$0x1D100] =	vst v63  }
0x52: {  	s29 =	sand.u32 $0x380, s25;
	s28 =	sadd.s32 s12, s28;
	_ =	swait.ge [sflag:s20], $0x4000  }
0x53: {  	s28 =	sor.u32 s29, s28;
	[sflag:s20] =	ssyncset.done $0x0  }
.LBB2_6:
0x54: {  	s25 =	sshrl.u32 s28, $0x3  }
0x55: {  	[sflag:s20] =	ssyncadd.s32 @p0 $0xFFFFC000;
	s26 =	sadd.s32 s5, s25  }
0x56: {  	[tilespmem:s2], [sflag:$0x2] =	stream.linear.gather [hbm4b:s26+s2], $0x80, $0x38;
	[tilespmem:$0x1D100] =	vst v63  }
0x57: {  	_ =	swait.ge [sflag:s20], $0x80  }
0x58: {  	[sflag:s20] =	ssyncset.done $0x0  }
0x59: {  	s25 =	sadd.s32 s6, s25;
	[sflag:s20] =	ssyncadd.s32 $0xFFFFFF80  }
0x5a: {  	[tilespmem:s21], [sflag:$0x2] =	stream.linear.gather [hbm4b:s25+s2], $0x80, $0x38;
	[tilespmem:$0x1D100] =	vst v63  }
0x5b: {  	_ =	swait.ge [sflag:s20], $0x80  }
0x5c: {  	[sflag:s20] =	ssyncset.done $0x0  }
0x5d: {  	[sflag:s20] =	ssyncadd.s32 $0xFFFFFF80  }
0x5e: {  	[tilespmem:s22], [sflag:$0x1] =	stream.indirect.gather [hbm4b:s4+s21], $0x80, s2, s21, $0xb8;
	[tilespmem:$0x1D100] =	vst v63  }
0x5f: {  	_ =	swait.ge [sflag:s23], $0x4000  }
0x60: {  	[sflag:s23] =	ssyncset.done $0x0  }
0x61: {  	[sflag:s23] =	ssyncadd.s32 $0xFFFFC000  }
0x62: {  	[spmem:s1] =	stream.indirect.scatter.add.f32 [tilespmem:s22], [sflag:$0x2], $0x80, s21, s21, $0xb8;
	[tilespmem:$0x1D100] =	vst v63  }
0x63: {  	_ =	swait.ge [sflag:s20], $0x4000  }
0x64: {  	[sflag:s20] =	ssyncset.done $0x0  }
0x65: {  	[sflag:s20] =	ssyncadd.s32 $0xFFFFC000  }
0x66: {  	[bflag:$0x0] =	sbarrier.arrive $0xFFFF  }
0x67: {  	[tilespmem:s19], [sflag:$0x2] =	stream.linear.gather [spmem:s7], $0x5000, $0x38;
	[tilespmem:$0x1D100] =	vst v63  }
0x68: {  	_ =	swait.ge [sflag:s20], $0x5000  }
0x69: {  	[sflag:s20] =	ssyncset.done $0x0  }
0x6a: {  	[sflag:s20] =	ssyncadd.s32 $0xFFFFB000  }
0x6b: {  	[hbm4b:s13+s2] =	stream.linear.scatter [tilespmem:s19], [sflag:$0x2], $0x5000, $0x38;
	[tilespmem:$0x1D100] =	vst v63  }
0x6c: {  	_ =	swait.ge [sflag:s20], $0x5000  }
0x6d: {  	[sflag:s20] =	ssyncset.done $0x0  }
0x6e: {  	[sflag:s20] =	ssyncadd.s32 $0xFFFFB000  }
0x6f: {  	[tilespmem:s19], [sflag:$0x2] =	stream.linear.gather [spmem:s8], $0x5000, $0x38;
	[tilespmem:$0x1D100] =	vst v63  }
0x70: {  	_ =	swait.ge [sflag:s20], $0x5000  }
0x71: {  	[sflag:s20] =	ssyncset.done $0x0  }
0x72: {  	[sflag:s20] =	ssyncadd.s32 $0xFFFFB000  }
0x73: {  	[hbm4b:s14+s2] =	stream.linear.scatter [tilespmem:s19], [sflag:$0x2], $0x5000, $0x38;
	[tilespmem:$0x1D100] =	vst v63  }
0x74: {  	_ =	swait.ge [sflag:s20], $0x5000  }
0x75: {  	[sflag:s20] =	ssyncset.done $0x0  }
0x76: {  	[sflag:s20] =	ssyncadd.s32 $0xFFFFB000  }
0x77: {  	[tilespmem:s19], [sflag:$0x2] =	stream.linear.gather [spmem:s9], $0x5000, $0x38;
	[tilespmem:$0x1D100] =	vst v63  }
0x78: {  	_ =	swait.ge [sflag:s20], $0x5000  }
0x79: {  	[sflag:s20] =	ssyncset.done $0x0  }
0x7a: {  	[sflag:s20] =	ssyncadd.s32 $0xFFFFB000  }
0x7b: {  	[hbm4b:s15+s2] =	stream.linear.scatter [tilespmem:s19], [sflag:$0x2], $0x5000, $0x38;
	[tilespmem:$0x1D100] =	vst v63  }
0x7c: {  	_ =	swait.ge [sflag:s20], $0x5000  }
0x7d: {  	[sflag:s20] =	ssyncset.done $0x0  }
0x7e: {  	[sflag:s20] =	ssyncadd.s32 $0xFFFFB000  }
0x7f: {  	[tilespmem:s19], [sflag:$0x2] =	stream.linear.gather [spmem:s10], $0x5000, $0x38;
	[tilespmem:$0x1D100] =	vst v63  }
0x80: {  	s24 =	sadd.s32 $0x1, s24;
	_ =	swait.ge [sflag:s20], $0x5000  }
0x81: {  	p0 =	sne.s32 s24, s17;
	[sflag:s20] =	ssyncset.done $0x0  }
.Ltmp4:
0x82: {  	[sflag:s20] =	ssyncadd.s32 $0xFFFFB000;
	(pc) =	sbr.rel @p0 .LBB2_1-.Ltmp4, $4  }
0x83: {  	[hbm4b:s16+s2] =	stream.linear.scatter [tilespmem:s19], [sflag:$0x2], $0x5000, $0x38;
	[tilespmem:$0x1D100] =	vst v63  }
0x84: {  	_ =	swait.ge [sflag:s20], $0x5000  }
0x85: {  	[sflag:s20] =	ssyncset.done $0x0  }
0x86: {  	[sflag:s20] =	ssyncadd.s32 $0xFFFFB000  }
0x87: {  	_ =	sfence.sel $0x180000  }
0x88: {  	[bflag:$0x0] =	sbarrier.arrive $0xFFFF  }
0x89: {  	p0 =	sne.s32 s3, $0x0;
	_ =	strace $0x9000004A  }
0x8a: {  	s0 =	sadd.s32 @!p0 $0x100000, s0;
	[bflag:$0x2] =	sbarrier.arrive $0xFFFF  }
0x8b: {  	[sflag:s0] =	ssyncadd.tile.s32 @!p0 $0x1;
	_ =	shalt  }
.Lfunc_end2:
_tile_overlayer_lowered:
.L_overlay_start_2:
0x8c: {  	(tag) =	ssettag $0x2  }
0x8d: {  	s0 =	rddreg [dreg:$0x0];
	s2 =	stileid.u32  }
0x8e: {  	s1 =	rddreg [dreg:$0x1];
	p0 =	sne.s32 s2, $0x0  }
0x8f: {  	s3 =	rddreg [dreg:$0x2];
	[bflag:$0x3] =	sbarrier.arrive $0xFFFF;
	s2 =	simm.s32 @!p0 $0x1C02  }
0x90: {  	[timem:s3], [sflag:s2] =	dma.local @!p0 [hbm:s0], s1  }
0x91: {  	s0 =	simm.s32 @!p0 $0x2  }
0x92: {  	_ =	swait.ge @!p0 [sflag:s0], s1  }
0x93: {  	s1 =	ssub.s32 @!p0 $0x0, s1;
	[sflag:s0] =	ssyncset.done @!p0 $0x0  }
0x94: {  	[sflag:s0] =	ssyncadd.s32 @!p0 s1  }
0x95: {  	[bflag:$0x3] =	sbarrier.arrive $0xFFFF  }
0x96: {  	_ =	shalt  }

</sc_bundles>
